<compile_context>
chip_gen: v7x
topology: tpu7x:2x2x1
jax: 0.10.2.dev20260603
libtpu: 0.0.44.dev20260713+nightly
codegen_flags: <defaults>
</compile_context>

<pallas_src>
import functools

import jax
import jax.numpy as jnp
from jax import lax
from jax.experimental import pallas as pl
from jax.experimental.pallas import tpu as pltpu
from jax.experimental.pallas import tpu_sc as plsc

DIM = 128
HALF_DIM = 64
NUM_EMB = 1000
BATCH = 16384

NC = 2
NS = 16
NW = NC * NS
B_PER_W = BATCH // NW
CHUNK = 64
N_CHUNKS = B_PER_W // CHUNK


def _fuse_table_body(embt_ref, wt_ref, b_ref, out_ref):
    e = embt_ref[...]
    e = e * jax.nn.sigmoid(e)
    acc = lax.dot_general(e, wt_ref[...], (((0,), (0,)), ((), ())),
                          preferred_element_type=jnp.float32)
    out_ref[...] = acc + b_ref[...]


def _fuse_table(emb_t, W_t, b2d):
    return pl.pallas_call(
        _fuse_table_body,
        out_shape=jax.ShapeDtypeStruct((NUM_EMB, DIM), jnp.float32),
    )(emb_t, W_t, b2d)


@functools.cache
def _make_gather_kernel():
    mesh = plsc.VectorSubcoreMesh(core_axis_name="c", subcore_axis_name="s")

    @functools.partial(
        pl.kernel,
        mesh=mesh,
        out_type=jax.ShapeDtypeStruct((BATCH, DIM), jnp.float32),
        scratch_types=[
            pltpu.VMEM((B_PER_W,), jnp.int32),
            pltpu.VMEM((B_PER_W, DIM), jnp.float32),
            pltpu.VMEM_SHARED((NUM_EMB, DIM), jnp.float32),
        ]
        + [pltpu.SemaphoreType.DMA] * (N_CHUNKS + 2),
    )
    def _gather_kernel(table_hbm, idx_hbm, out_hbm, idx_v, rows_v, tab_sp, *sems):
        isem, gsem, wsems = sems[0], sems[1], sems[2:]
        sid = lax.axis_index("s")
        wid = sid * NC + lax.axis_index("c")
        base = wid * B_PER_W
        idx_copy = pltpu.async_copy(idx_hbm.at[pl.ds(base, B_PER_W)], idx_v, isem)
        @pl.when(sid < 15)
        def _stage():
            pltpu.sync_copy(
                table_hbm.at[pl.ds(sid * 64, 64)],
                tab_sp.at[pl.ds(sid * 64, 64)],
            )
        @pl.when(sid == 15)
        def _stage_tail():
            pltpu.sync_copy(
                table_hbm.at[pl.ds(960, NUM_EMB - 960)],
                tab_sp.at[pl.ds(960, NUM_EMB - 960)],
            )
        idx_copy.wait()
        plsc.subcore_barrier()
        gathers = [
            pltpu.async_copy(
                tab_sp.at[idx_v.at[pl.ds(j * CHUNK, CHUNK)]],
                rows_v.at[pl.ds(j * CHUNK, CHUNK)],
                gsem,
            )
            for j in range(N_CHUNKS)
        ]
        writes = []
        for j in range(N_CHUNKS):
            gathers[j].wait()
            writes.append(
                pltpu.async_copy(
                    rows_v.at[pl.ds(j * CHUNK, CHUNK)],
                    out_hbm.at[pl.ds(base + j * CHUNK, CHUNK)],
                    wsems[j],
                )
            )
        for w in writes:
            w.wait()

    return _gather_kernel


def kernel(t, emb_table, W, b):
    t32 = t.astype(jnp.int32)
    fused = _fuse_table(emb_table.T, W.T, b.reshape(1, DIM))
    return _make_gather_kernel()(fused, t32)

# --- scband reference (transcript-rebuilt; emitter-appended) ---
"""Pipeline reference for scband-timestep-embedding-48180943126808 (READ-ONLY COPY).

The authoritative reference and input builder live on the scoring server;
editing this copy changes nothing except your own understanding.
"""

import jax, jax.numpy as jnp
import numpy as np

DIM = 128
HALF_DIM = DIM // 2
NUM_EMB = 1000
BATCH = 16384

def setup_inputs(seed: int = 0) -> dict:
    key = jax.random.key(seed)
    k1, k2, k3, k4 = jax.random.split(key, 4)
    t = jax.random.randint(k1, (BATCH,), 0, NUM_EMB)
    emb_table = jax.random.normal(k2, (NUM_EMB, HALF_DIM), dtype=jnp.float32)
    # torch Linear(half_dim, dim): weight [dim, half_dim], bias [dim]
    bound = 1.0 / np.sqrt(HALF_DIM)
    W = jax.random.uniform(k3, (DIM, HALF_DIM), dtype=jnp.float32, minval=-bound, maxval=bound)
    b = jax.random.uniform(k4, (DIM,), dtype=jnp.float32, minval=-bound, maxval=bound)
    return {"t": t, "emb_table": emb_table, "W": W, "b": b}

def reference(t, emb_table, W, b):
    e = jnp.take(emb_table, t, axis=0)            # embedding lookup [B, half_dim]
    e = e * jax.nn.sigmoid(e)                      # SiLU
    out = e @ W.T + b                              # Linear proj [B, dim]
    return out

if __name__ == "__main__":
    import jax
    _d = setup_inputs()
    print(jax.jit(kernel)(*tuple(_d.values())))

</pallas_src>

<mosaic_0001>
#map = affine_map<(d0, d1) -> (0, 0)>
#map1 = affine_map<(d0, d1) -> (0)>
module attributes {stable_mosaic.version = 14 : i64} {
  func.func @_gather_kernel(%arg0: i32, %arg1: i32, %arg2: memref<1000x128xf32, #tpu.memory_space<hbm>>, %arg3: memref<16384xi32, #tpu.memory_space<hbm>>, %arg4: memref<16384x128xf32, #tpu.memory_space<hbm>>, %arg5: memref<512xi32, #tpu.memory_space<vmem>>, %arg6: memref<512x128xf32, #tpu.memory_space<vmem>>, %arg7: memref<1000x128xf32, #tpu.memory_space<vmem_shared>>, %arg8: memref<!tpu.dma_semaphore, #tpu.memory_space<semaphore_mem>>, %arg9: memref<!tpu.dma_semaphore, #tpu.memory_space<semaphore_mem>>, %arg10: memref<!tpu.dma_semaphore, #tpu.memory_space<semaphore_mem>>, %arg11: memref<!tpu.dma_semaphore, #tpu.memory_space<semaphore_mem>>, %arg12: memref<!tpu.dma_semaphore, #tpu.memory_space<semaphore_mem>>, %arg13: memref<!tpu.dma_semaphore, #tpu.memory_space<semaphore_mem>>, %arg14: memref<!tpu.dma_semaphore, #tpu.memory_space<semaphore_mem>>, %arg15: memref<!tpu.dma_semaphore, #tpu.memory_space<semaphore_mem>>, %arg16: memref<!tpu.dma_semaphore, #tpu.memory_space<semaphore_mem>>, %arg17: memref<!tpu.dma_semaphore, #tpu.memory_space<semaphore_mem>>) attributes {dimension_semantics = [#tpu.dimension_semantics<core_parallel>, #tpu.dimension_semantics<subcore_parallel>], iteration_bounds = array<i64: 2, 16>, scalar_prefetch = 0 : i64, scratch_operands = 13 : i64, tpu.core_type = #tpu.core_type<sc_vector_subcore>, window_params = [{transform_indices = #map}, {transform_indices = #map1}, {transform_indices = #map}]} {
    %mul3A = arith.constant 2 : i32
    %mul3A_0 = arith.muli %arg1, %mul3A : i32
    %add3A = arith.addi %mul3A_0, %arg0 : i32
    %mul3A_1 = arith.constant 512 : i32
    %mul3A_2 = arith.muli %add3A, %mul3A_1 : i32
    %dma_start3A = tpu.memref_slice %arg3[%mul3A_2] : memref<16384xi32, #tpu.memory_space<hbm>> -> memref<512xi32, #tpu.memory_space<hbm>>
    %dma_start3A_3 = tpu.memref_slice %arg3[%mul3A_2] : memref<16384xi32, #tpu.memory_space<hbm>> -> memref<512xi32, #tpu.memory_space<hbm>>
    tpu.enqueue_dma source(%dma_start3A_3 : memref<512xi32, #tpu.memory_space<hbm>>) target(%arg5 : memref<512xi32, #tpu.memory_space<vmem>>) target_semaphore(%arg8 : memref<!tpu.dma_semaphore, #tpu.memory_space<semaphore_mem>>)
    %lt3A = arith.constant 15 : i32
    %lt3A_4 = arith.cmpi slt, %arg1, %lt3A : i32
    %convert_element_type3A = arith.extui %lt3A_4 : i1 to i32
    %cond3A = arith.constant 0 : i32
    %cond3A_5 = arith.cmpi ne, %convert_element_type3A, %cond3A : i32
    scf.if %cond3A_5 {
      %mul3A_315 = arith.constant 64 : i32
      %mul3A_316 = arith.muli %arg1, %mul3A_315 : i32
      %mul3A_317 = arith.constant 64 : i32
      %mul3A_318 = arith.muli %arg1, %mul3A_317 : i32
      "tpu.region"() ({
        %run_scoped3A = tpu.sem_alloc : memref<!tpu.dma_semaphore, #tpu.memory_space<semaphore_mem>>
        %dma_start3A_319 = arith.constant 0 : i32
        %dma_start3A_320 = tpu.memref_slice %arg7[%mul3A_318, %dma_start3A_319] : memref<1000x128xf32, #tpu.memory_space<vmem_shared>> -> memref<64x128xf32, #tpu.memory_space<vmem_shared>>
        %dma_start3A_321 = arith.constant 0 : i32
        %dma_start3A_322 = tpu.memref_slice %arg2[%mul3A_316, %dma_start3A_321] : memref<1000x128xf32, #tpu.memory_space<hbm>> -> memref<64x128xf32, #tpu.memory_space<hbm>>
        tpu.enqueue_dma source(%dma_start3A_322 : memref<64x128xf32, #tpu.memory_space<hbm>>) target(%dma_start3A_320 : memref<64x128xf32, #tpu.memory_space<vmem_shared>>) target_semaphore(%run_scoped3A : memref<!tpu.dma_semaphore, #tpu.memory_space<semaphore_mem>>)
        %dma_wait3A_323 = arith.constant 0 : i32
        %dma_wait3A_324 = tpu.memref_slice %arg7[%mul3A_318, %dma_wait3A_323] : memref<1000x128xf32, #tpu.memory_space<vmem_shared>> -> memref<64x128xf32, #tpu.memory_space<vmem_shared>>
        %dma_wait3A_325 = arith.constant 0 : i32
        %dma_wait3A_326 = tpu.memref_slice %arg2[%mul3A_316, %dma_wait3A_325] : memref<1000x128xf32, #tpu.memory_space<hbm>> -> memref<64x128xf32, #tpu.memory_space<hbm>>
        tpu.wait_dma2 semaphore(%run_scoped3A : memref<!tpu.dma_semaphore, #tpu.memory_space<semaphore_mem>>) src(%dma_wait3A_326 : memref<64x128xf32, #tpu.memory_space<hbm>>) dst(%dma_wait3A_324 : memref<64x128xf32, #tpu.memory_space<vmem_shared>>)
        tpu.yield
      }) : () -> ()
    } else {
    }
    %eq3A = arith.constant 15 : i32
    %eq3A_6 = arith.cmpi eq, %arg1, %eq3A : i32
    %convert_element_type3A_7 = arith.extui %eq3A_6 : i1 to i32
    %cond3A_8 = arith.constant 0 : i32
    %cond3A_9 = arith.cmpi ne, %convert_element_type3A_7, %cond3A_8 : i32
    scf.if %cond3A_9 {
      "tpu.region"() ({
        %run_scoped3A = tpu.sem_alloc : memref<!tpu.dma_semaphore, #tpu.memory_space<semaphore_mem>>
        %dma_start3A_315 = arith.constant 960 : i32
        %dma_start3A_316 = arith.constant 0 : i32
        %dma_start3A_317 = tpu.memref_slice %arg7[%dma_start3A_315, %dma_start3A_316] : memref<1000x128xf32, #tpu.memory_space<vmem_shared>> -> memref<40x128xf32, #tpu.memory_space<vmem_shared>>
        %dma_start3A_318 = arith.constant 960 : i32
        %dma_start3A_319 = arith.constant 0 : i32
        %dma_start3A_320 = tpu.memref_slice %arg2[%dma_start3A_318, %dma_start3A_319] : memref<1000x128xf32, #tpu.memory_space<hbm>> -> memref<40x128xf32, #tpu.memory_space<hbm>>
        tpu.enqueue_dma source(%dma_start3A_320 : memref<40x128xf32, #tpu.memory_space<hbm>>) target(%dma_start3A_317 : memref<40x128xf32, #tpu.memory_space<vmem_shared>>) target_semaphore(%run_scoped3A : memref<!tpu.dma_semaphore, #tpu.memory_space<semaphore_mem>>)
        %dma_wait3A_321 = arith.constant 960 : i32
        %dma_wait3A_322 = arith.constant 0 : i32
        %dma_wait3A_323 = tpu.memref_slice %arg7[%dma_wait3A_321, %dma_wait3A_322] : memref<1000x128xf32, #tpu.memory_space<vmem_shared>> -> memref<40x128xf32, #tpu.memory_space<vmem_shared>>
        %dma_wait3A_324 = arith.constant 960 : i32
        %dma_wait3A_325 = arith.constant 0 : i32
        %dma_wait3A_326 = tpu.memref_slice %arg2[%dma_wait3A_324, %dma_wait3A_325] : memref<1000x128xf32, #tpu.memory_space<hbm>> -> memref<40x128xf32, #tpu.memory_space<hbm>>
        tpu.wait_dma2 semaphore(%run_scoped3A : memref<!tpu.dma_semaphore, #tpu.memory_space<semaphore_mem>>) src(%dma_wait3A_326 : memref<40x128xf32, #tpu.memory_space<hbm>>) dst(%dma_wait3A_323 : memref<40x128xf32, #tpu.memory_space<vmem_shared>>)
        tpu.yield
      }) : () -> ()
    } else {
    }
    %dma_wait3A = tpu.memref_slice %arg3[%mul3A_2] : memref<16384xi32, #tpu.memory_space<hbm>> -> memref<512xi32, #tpu.memory_space<hbm>>
    %dma_wait3A_10 = tpu.memref_slice %arg3[%mul3A_2] : memref<16384xi32, #tpu.memory_space<hbm>> -> memref<512xi32, #tpu.memory_space<hbm>>
    tpu.wait_dma2 semaphore(%arg8 : memref<!tpu.dma_semaphore, #tpu.memory_space<semaphore_mem>>) src(%dma_wait3A_10 : memref<512xi32, #tpu.memory_space<hbm>>) dst(%arg5 : memref<512xi32, #tpu.memory_space<vmem>>)
    %barrier3A = arith.constant 0 : index
    tpu.barrier barrier_id(%barrier3A)
    %dma_start3A_11 = arith.constant 0 : i32
    %dma_start3A_12 = arith.constant 0 : i32
    %dma_start3A_13 = tpu.memref_slice %arg6[%dma_start3A_11, %dma_start3A_12] : memref<512x128xf32, #tpu.memory_space<vmem>> -> memref<64x128xf32, #tpu.memory_space<vmem>>
    %dma_start3A_14 = arith.constant 0 : i32
    %dma_start3A_15 = tpu.memref_slice %arg5[%dma_start3A_14] : memref<512xi32, #tpu.memory_space<vmem>> -> memref<64xi32, #tpu.memory_space<vmem>>
    %dma_start3A_16 = arith.constant 0 : i32
    %dma_start3A_17 = arith.constant 0 : i32
    %dma_start3A_18 = tpu.memref_slice %arg7[%dma_start3A_16, %dma_start3A_17] : memref<1000x128xf32, #tpu.memory_space<vmem_shared>> -> memref<1000x128xf32, #tpu.memory_space<vmem_shared>>
    tpu.enqueue_indirect_dma source(%dma_start3A_18 : memref<1000x128xf32, #tpu.memory_space<vmem_shared>>) target(%dma_start3A_13 : memref<64x128xf32, #tpu.memory_space<vmem>>) offsets(%dma_start3A_15 : memref<64xi32, #tpu.memory_space<vmem>>) semaphore(%arg9 : memref<!tpu.dma_semaphore, #tpu.memory_space<semaphore_mem>>)
    %dma_start3A_19 = arith.constant 64 : i32
    %dma_start3A_20 = arith.constant 0 : i32
    %dma_start3A_21 = tpu.memref_slice %arg6[%dma_start3A_19, %dma_start3A_20] : memref<512x128xf32, #tpu.memory_space<vmem>> -> memref<64x128xf32, #tpu.memory_space<vmem>>
    %dma_start3A_22 = arith.constant 64 : i32
    %dma_start3A_23 = tpu.memref_slice %arg5[%dma_start3A_22] : memref<512xi32, #tpu.memory_space<vmem>> -> memref<64xi32, #tpu.memory_space<vmem>>
    %dma_start3A_24 = arith.constant 0 : i32
    %dma_start3A_25 = arith.constant 0 : i32
    %dma_start3A_26 = tpu.memref_slice %arg7[%dma_start3A_24, %dma_start3A_25] : memref<1000x128xf32, #tpu.memory_space<vmem_shared>> -> memref<1000x128xf32, #tpu.memory_space<vmem_shared>>
    tpu.enqueue_indirect_dma source(%dma_start3A_26 : memref<1000x128xf32, #tpu.memory_space<vmem_shared>>) target(%dma_start3A_21 : memref<64x128xf32, #tpu.memory_space<vmem>>) offsets(%dma_start3A_23 : memref<64xi32, #tpu.memory_space<vmem>>) semaphore(%arg9 : memref<!tpu.dma_semaphore, #tpu.memory_space<semaphore_mem>>)
    %dma_start3A_27 = arith.constant 128 : i32
    %dma_start3A_28 = arith.constant 0 : i32
    %dma_start3A_29 = tpu.memref_slice %arg6[%dma_start3A_27, %dma_start3A_28] : memref<512x128xf32, #tpu.memory_space<vmem>> -> memref<64x128xf32, #tpu.memory_space<vmem>>
    %dma_start3A_30 = arith.constant 128 : i32
    %dma_start3A_31 = tpu.memref_slice %arg5[%dma_start3A_30] : memref<512xi32, #tpu.memory_space<vmem>> -> memref<64xi32, #tpu.memory_space<vmem>>
    %dma_start3A_32 = arith.constant 0 : i32
    %dma_start3A_33 = arith.constant 0 : i32
    %dma_start3A_34 = tpu.memref_slice %arg7[%dma_start3A_32, %dma_start3A_33] : memref<1000x128xf32, #tpu.memory_space<vmem_shared>> -> memref<1000x128xf32, #tpu.memory_space<vmem_shared>>
    tpu.enqueue_indirect_dma source(%dma_start3A_34 : memref<1000x128xf32, #tpu.memory_space<vmem_shared>>) target(%dma_start3A_29 : memref<64x128xf32, #tpu.memory_space<vmem>>) offsets(%dma_start3A_31 : memref<64xi32, #tpu.memory_space<vmem>>) semaphore(%arg9 : memref<!tpu.dma_semaphore, #tpu.memory_space<semaphore_mem>>)
    %dma_start3A_35 = arith.constant 192 : i32
    %dma_start3A_36 = arith.constant 0 : i32
    %dma_start3A_37 = tpu.memref_slice %arg6[%dma_start3A_35, %dma_start3A_36] : memref<512x128xf32, #tpu.memory_space<vmem>> -> memref<64x128xf32, #tpu.memory_space<vmem>>
    %dma_start3A_38 = arith.constant 192 : i32
    %dma_start3A_39 = tpu.memref_slice %arg5[%dma_start3A_38] : memref<512xi32, #tpu.memory_space<vmem>> -> memref<64xi32, #tpu.memory_space<vmem>>
    %dma_start3A_40 = arith.constant 0 : i32
    %dma_start3A_41 = arith.constant 0 : i32
    %dma_start3A_42 = tpu.memref_slice %arg7[%dma_start3A_40, %dma_start3A_41] : memref<1000x128xf32, #tpu.memory_space<vmem_shared>> -> memref<1000x128xf32, #tpu.memory_space<vmem_shared>>
    tpu.enqueue_indirect_dma source(%dma_start3A_42 : memref<1000x128xf32, #tpu.memory_space<vmem_shared>>) target(%dma_start3A_37 : memref<64x128xf32, #tpu.memory_space<vmem>>) offsets(%dma_start3A_39 : memref<64xi32, #tpu.memory_space<vmem>>) semaphore(%arg9 : memref<!tpu.dma_semaphore, #tpu.memory_space<semaphore_mem>>)
    %dma_start3A_43 = arith.constant 256 : i32
    %dma_start3A_44 = arith.constant 0 : i32
    %dma_start3A_45 = tpu.memref_slice %arg6[%dma_start3A_43, %dma_start3A_44] : memref<512x128xf32, #tpu.memory_space<vmem>> -> memref<64x128xf32, #tpu.memory_space<vmem>>
    %dma_start3A_46 = arith.constant 256 : i32
    %dma_start3A_47 = tpu.memref_slice %arg5[%dma_start3A_46] : memref<512xi32, #tpu.memory_space<vmem>> -> memref<64xi32, #tpu.memory_space<vmem>>
    %dma_start3A_48 = arith.constant 0 : i32
    %dma_start3A_49 = arith.constant 0 : i32
    %dma_start3A_50 = tpu.memref_slice %arg7[%dma_start3A_48, %dma_start3A_49] : memref<1000x128xf32, #tpu.memory_space<vmem_shared>> -> memref<1000x128xf32, #tpu.memory_space<vmem_shared>>
    tpu.enqueue_indirect_dma source(%dma_start3A_50 : memref<1000x128xf32, #tpu.memory_space<vmem_shared>>) target(%dma_start3A_45 : memref<64x128xf32, #tpu.memory_space<vmem>>) offsets(%dma_start3A_47 : memref<64xi32, #tpu.memory_space<vmem>>) semaphore(%arg9 : memref<!tpu.dma_semaphore, #tpu.memory_space<semaphore_mem>>)
    %dma_start3A_51 = arith.constant 320 : i32
    %dma_start3A_52 = arith.constant 0 : i32
    %dma_start3A_53 = tpu.memref_slice %arg6[%dma_start3A_51, %dma_start3A_52] : memref<512x128xf32, #tpu.memory_space<vmem>> -> memref<64x128xf32, #tpu.memory_space<vmem>>
    %dma_start3A_54 = arith.constant 320 : i32
    %dma_start3A_55 = tpu.memref_slice %arg5[%dma_start3A_54] : memref<512xi32, #tpu.memory_space<vmem>> -> memref<64xi32, #tpu.memory_space<vmem>>
    %dma_start3A_56 = arith.constant 0 : i32
    %dma_start3A_57 = arith.constant 0 : i32
    %dma_start3A_58 = tpu.memref_slice %arg7[%dma_start3A_56, %dma_start3A_57] : memref<1000x128xf32, #tpu.memory_space<vmem_shared>> -> memref<1000x128xf32, #tpu.memory_space<vmem_shared>>
    tpu.enqueue_indirect_dma source(%dma_start3A_58 : memref<1000x128xf32, #tpu.memory_space<vmem_shared>>) target(%dma_start3A_53 : memref<64x128xf32, #tpu.memory_space<vmem>>) offsets(%dma_start3A_55 : memref<64xi32, #tpu.memory_space<vmem>>) semaphore(%arg9 : memref<!tpu.dma_semaphore, #tpu.memory_space<semaphore_mem>>)
    %dma_start3A_59 = arith.constant 384 : i32
    %dma_start3A_60 = arith.constant 0 : i32
    %dma_start3A_61 = tpu.memref_slice %arg6[%dma_start3A_59, %dma_start3A_60] : memref<512x128xf32, #tpu.memory_space<vmem>> -> memref<64x128xf32, #tpu.memory_space<vmem>>
    %dma_start3A_62 = arith.constant 384 : i32
    %dma_start3A_63 = tpu.memref_slice %arg5[%dma_start3A_62] : memref<512xi32, #tpu.memory_space<vmem>> -> memref<64xi32, #tpu.memory_space<vmem>>
    %dma_start3A_64 = arith.constant 0 : i32
    %dma_start3A_65 = arith.constant 0 : i32
    %dma_start3A_66 = tpu.memref_slice %arg7[%dma_start3A_64, %dma_start3A_65] : memref<1000x128xf32, #tpu.memory_space<vmem_shared>> -> memref<1000x128xf32, #tpu.memory_space<vmem_shared>>
    tpu.enqueue_indirect_dma source(%dma_start3A_66 : memref<1000x128xf32, #tpu.memory_space<vmem_shared>>) target(%dma_start3A_61 : memref<64x128xf32, #tpu.memory_space<vmem>>) offsets(%dma_start3A_63 : memref<64xi32, #tpu.memory_space<vmem>>) semaphore(%arg9 : memref<!tpu.dma_semaphore, #tpu.memory_space<semaphore_mem>>)
    %dma_start3A_67 = arith.constant 448 : i32
    %dma_start3A_68 = arith.constant 0 : i32
    %dma_start3A_69 = tpu.memref_slice %arg6[%dma_start3A_67, %dma_start3A_68] : memref<512x128xf32, #tpu.memory_space<vmem>> -> memref<64x128xf32, #tpu.memory_space<vmem>>
    %dma_start3A_70 = arith.constant 448 : i32
    %dma_start3A_71 = tpu.memref_slice %arg5[%dma_start3A_70] : memref<512xi32, #tpu.memory_space<vmem>> -> memref<64xi32, #tpu.memory_space<vmem>>
    %dma_start3A_72 = arith.constant 0 : i32
    %dma_start3A_73 = arith.constant 0 : i32
    %dma_start3A_74 = tpu.memref_slice %arg7[%dma_start3A_72, %dma_start3A_73] : memref<1000x128xf32, #tpu.memory_space<vmem_shared>> -> memref<1000x128xf32, #tpu.memory_space<vmem_shared>>
    tpu.enqueue_indirect_dma source(%dma_start3A_74 : memref<1000x128xf32, #tpu.memory_space<vmem_shared>>) target(%dma_start3A_69 : memref<64x128xf32, #tpu.memory_space<vmem>>) offsets(%dma_start3A_71 : memref<64xi32, #tpu.memory_space<vmem>>) semaphore(%arg9 : memref<!tpu.dma_semaphore, #tpu.memory_space<semaphore_mem>>)
    %dma_wait3A_75 = arith.constant 0 : i32
    %dma_wait3A_76 = arith.constant 0 : i32
    %dma_wait3A_77 = tpu.memref_slice %arg6[%dma_wait3A_75, %dma_wait3A_76] : memref<512x128xf32, #tpu.memory_space<vmem>> -> memref<64x128xf32, #tpu.memory_space<vmem>>
    %dma_wait3A_78 = arith.constant 0 : i32
    %dma_wait3A_79 = tpu.memref_slice %arg5[%dma_wait3A_78] : memref<512xi32, #tpu.memory_space<vmem>> -> memref<64xi32, #tpu.memory_space<vmem>>
    %dma_wait3A_80 = arith.constant 0 : i32
    %dma_wait3A_81 = arith.constant 0 : i32
    %dma_wait3A_82 = tpu.memref_slice %arg7[%dma_wait3A_80, %dma_wait3A_81] : memref<1000x128xf32, #tpu.memory_space<vmem_shared>> -> memref<1000x128xf32, #tpu.memory_space<vmem_shared>>
    tpu.wait_indirect_dma semaphore(%arg9 : memref<!tpu.dma_semaphore, #tpu.memory_space<semaphore_mem>>) src(%dma_wait3A_82 : memref<1000x128xf32, #tpu.memory_space<vmem_shared>>) dst(%dma_wait3A_77 : memref<64x128xf32, #tpu.memory_space<vmem>>)
    %add3A_83 = arith.constant 0 : i32
    %add3A_84 = arith.addi %mul3A_2, %add3A_83 : i32
    %dma_start3A_85 = arith.constant 0 : i32
    %dma_start3A_86 = arith.constant 0 : i32
    %dma_start3A_87 = tpu.memref_slice %arg6[%dma_start3A_85, %dma_start3A_86] : memref<512x128xf32, #tpu.memory_space<vmem>> -> memref<64x128xf32, #tpu.memory_space<vmem>>
    %dma_start3A_88 = arith.constant 0 : i32
    %dma_start3A_89 = tpu.memref_slice %arg4[%add3A_84, %dma_start3A_88] : memref<16384x128xf32, #tpu.memory_space<hbm>> -> memref<64x128xf32, #tpu.memory_space<hbm>>
    %dma_start3A_90 = arith.constant 0 : i32
    %dma_start3A_91 = tpu.memref_slice %arg4[%add3A_84, %dma_start3A_90] : memref<16384x128xf32, #tpu.memory_space<hbm>> -> memref<64x128xf32, #tpu.memory_space<hbm>>
    %dma_start3A_92 = arith.constant 0 : i32
    %dma_start3A_93 = arith.constant 0 : i32
    %dma_start3A_94 = tpu.memref_slice %arg6[%dma_start3A_92, %dma_start3A_93] : memref<512x128xf32, #tpu.memory_space<vmem>> -> memref<64x128xf32, #tpu.memory_space<vmem>>
    tpu.enqueue_dma source(%dma_start3A_94 : memref<64x128xf32, #tpu.memory_space<vmem>>) target(%dma_start3A_91 : memref<64x128xf32, #tpu.memory_space<hbm>>) target_semaphore(%arg10 : memref<!tpu.dma_semaphore, #tpu.memory_space<semaphore_mem>>)
    %dma_wait3A_95 = arith.constant 64 : i32
    %dma_wait3A_96 = arith.constant 0 : i32
    %dma_wait3A_97 = tpu.memref_slice %arg6[%dma_wait3A_95, %dma_wait3A_96] : memref<512x128xf32, #tpu.memory_space<vmem>> -> memref<64x128xf32, #tpu.memory_space<vmem>>
    %dma_wait3A_98 = arith.constant 64 : i32
    %dma_wait3A_99 = tpu.memref_slice %arg5[%dma_wait3A_98] : memref<512xi32, #tpu.memory_space<vmem>> -> memref<64xi32, #tpu.memory_space<vmem>>
    %dma_wait3A_100 = arith.constant 0 : i32
    %dma_wait3A_101 = arith.constant 0 : i32
    %dma_wait3A_102 = tpu.memref_slice %arg7[%dma_wait3A_100, %dma_wait3A_101] : memref<1000x128xf32, #tpu.memory_space<vmem_shared>> -> memref<1000x128xf32, #tpu.memory_space<vmem_shared>>
    tpu.wait_indirect_dma semaphore(%arg9 : memref<!tpu.dma_semaphore, #tpu.memory_space<semaphore_mem>>) src(%dma_wait3A_102 : memref<1000x128xf32, #tpu.memory_space<vmem_shared>>) dst(%dma_wait3A_97 : memref<64x128xf32, #tpu.memory_space<vmem>>)
    %add3A_103 = arith.constant 64 : i32
    %add3A_104 = arith.addi %mul3A_2, %add3A_103 : i32
    %dma_start3A_105 = arith.constant 64 : i32
    %dma_start3A_106 = arith.constant 0 : i32
    %dma_start3A_107 = tpu.memref_slice %arg6[%dma_start3A_105, %dma_start3A_106] : memref<512x128xf32, #tpu.memory_space<vmem>> -> memref<64x128xf32, #tpu.memory_space<vmem>>
    %dma_start3A_108 = arith.constant 0 : i32
    %dma_start3A_109 = tpu.memref_slice %arg4[%add3A_104, %dma_start3A_108] : memref<16384x128xf32, #tpu.memory_space<hbm>> -> memref<64x128xf32, #tpu.memory_space<hbm>>
    %dma_start3A_110 = arith.constant 0 : i32
    %dma_start3A_111 = tpu.memref_slice %arg4[%add3A_104, %dma_start3A_110] : memref<16384x128xf32, #tpu.memory_space<hbm>> -> memref<64x128xf32, #tpu.memory_space<hbm>>
    %dma_start3A_112 = arith.constant 64 : i32
    %dma_start3A_113 = arith.constant 0 : i32
    %dma_start3A_114 = tpu.memref_slice %arg6[%dma_start3A_112, %dma_start3A_113] : memref<512x128xf32, #tpu.memory_space<vmem>> -> memref<64x128xf32, #tpu.memory_space<vmem>>
    tpu.enqueue_dma source(%dma_start3A_114 : memref<64x128xf32, #tpu.memory_space<vmem>>) target(%dma_start3A_111 : memref<64x128xf32, #tpu.memory_space<hbm>>) target_semaphore(%arg11 : memref<!tpu.dma_semaphore, #tpu.memory_space<semaphore_mem>>)
    %dma_wait3A_115 = arith.constant 128 : i32
    %dma_wait3A_116 = arith.constant 0 : i32
    %dma_wait3A_117 = tpu.memref_slice %arg6[%dma_wait3A_115, %dma_wait3A_116] : memref<512x128xf32, #tpu.memory_space<vmem>> -> memref<64x128xf32, #tpu.memory_space<vmem>>
    %dma_wait3A_118 = arith.constant 128 : i32
    %dma_wait3A_119 = tpu.memref_slice %arg5[%dma_wait3A_118] : memref<512xi32, #tpu.memory_space<vmem>> -> memref<64xi32, #tpu.memory_space<vmem>>
    %dma_wait3A_120 = arith.constant 0 : i32
    %dma_wait3A_121 = arith.constant 0 : i32
    %dma_wait3A_122 = tpu.memref_slice %arg7[%dma_wait3A_120, %dma_wait3A_121] : memref<1000x128xf32, #tpu.memory_space<vmem_shared>> -> memref<1000x128xf32, #tpu.memory_space<vmem_shared>>
    tpu.wait_indirect_dma semaphore(%arg9 : memref<!tpu.dma_semaphore, #tpu.memory_space<semaphore_mem>>) src(%dma_wait3A_122 : memref<1000x128xf32, #tpu.memory_space<vmem_shared>>) dst(%dma_wait3A_117 : memref<64x128xf32, #tpu.memory_space<vmem>>)
    %add3A_123 = arith.constant 128 : i32
    %add3A_124 = arith.addi %mul3A_2, %add3A_123 : i32
    %dma_start3A_125 = arith.constant 128 : i32
    %dma_start3A_126 = arith.constant 0 : i32
    %dma_start3A_127 = tpu.memref_slice %arg6[%dma_start3A_125, %dma_start3A_126] : memref<512x128xf32, #tpu.memory_space<vmem>> -> memref<64x128xf32, #tpu.memory_space<vmem>>
    %dma_start3A_128 = arith.constant 0 : i32
    %dma_start3A_129 = tpu.memref_slice %arg4[%add3A_124, %dma_start3A_128] : memref<16384x128xf32, #tpu.memory_space<hbm>> -> memref<64x128xf32, #tpu.memory_space<hbm>>
    %dma_start3A_130 = arith.constant 0 : i32
    %dma_start3A_131 = tpu.memref_slice %arg4[%add3A_124, %dma_start3A_130] : memref<16384x128xf32, #tpu.memory_space<hbm>> -> memref<64x128xf32, #tpu.memory_space<hbm>>
    %dma_start3A_132 = arith.constant 128 : i32
    %dma_start3A_133 = arith.constant 0 : i32
    %dma_start3A_134 = tpu.memref_slice %arg6[%dma_start3A_132, %dma_start3A_133] : memref<512x128xf32, #tpu.memory_space<vmem>> -> memref<64x128xf32, #tpu.memory_space<vmem>>
    tpu.enqueue_dma source(%dma_start3A_134 : memref<64x128xf32, #tpu.memory_space<vmem>>) target(%dma_start3A_131 : memref<64x128xf32, #tpu.memory_space<hbm>>) target_semaphore(%arg12 : memref<!tpu.dma_semaphore, #tpu.memory_space<semaphore_mem>>)
    %dma_wait3A_135 = arith.constant 192 : i32
    %dma_wait3A_136 = arith.constant 0 : i32
    %dma_wait3A_137 = tpu.memref_slice %arg6[%dma_wait3A_135, %dma_wait3A_136] : memref<512x128xf32, #tpu.memory_space<vmem>> -> memref<64x128xf32, #tpu.memory_space<vmem>>
    %dma_wait3A_138 = arith.constant 192 : i32
    %dma_wait3A_139 = tpu.memref_slice %arg5[%dma_wait3A_138] : memref<512xi32, #tpu.memory_space<vmem>> -> memref<64xi32, #tpu.memory_space<vmem>>
    %dma_wait3A_140 = arith.constant 0 : i32
    %dma_wait3A_141 = arith.constant 0 : i32
    %dma_wait3A_142 = tpu.memref_slice %arg7[%dma_wait3A_140, %dma_wait3A_141] : memref<1000x128xf32, #tpu.memory_space<vmem_shared>> -> memref<1000x128xf32, #tpu.memory_space<vmem_shared>>
    tpu.wait_indirect_dma semaphore(%arg9 : memref<!tpu.dma_semaphore, #tpu.memory_space<semaphore_mem>>) src(%dma_wait3A_142 : memref<1000x128xf32, #tpu.memory_space<vmem_shared>>) dst(%dma_wait3A_137 : memref<64x128xf32, #tpu.memory_space<vmem>>)
    %add3A_143 = arith.constant 192 : i32
    %add3A_144 = arith.addi %mul3A_2, %add3A_143 : i32
    %dma_start3A_145 = arith.constant 192 : i32
    %dma_start3A_146 = arith.constant 0 : i32
    %dma_start3A_147 = tpu.memref_slice %arg6[%dma_start3A_145, %dma_start3A_146] : memref<512x128xf32, #tpu.memory_space<vmem>> -> memref<64x128xf32, #tpu.memory_space<vmem>>
    %dma_start3A_148 = arith.constant 0 : i32
    %dma_start3A_149 = tpu.memref_slice %arg4[%add3A_144, %dma_start3A_148] : memref<16384x128xf32, #tpu.memory_space<hbm>> -> memref<64x128xf32, #tpu.memory_space<hbm>>
    %dma_start3A_150 = arith.constant 0 : i32
    %dma_start3A_151 = tpu.memref_slice %arg4[%add3A_144, %dma_start3A_150] : memref<16384x128xf32, #tpu.memory_space<hbm>> -> memref<64x128xf32, #tpu.memory_space<hbm>>
    %dma_start3A_152 = arith.constant 192 : i32
    %dma_start3A_153 = arith.constant 0 : i32
    %dma_start3A_154 = tpu.memref_slice %arg6[%dma_start3A_152, %dma_start3A_153] : memref<512x128xf32, #tpu.memory_space<vmem>> -> memref<64x128xf32, #tpu.memory_space<vmem>>
    tpu.enqueue_dma source(%dma_start3A_154 : memref<64x128xf32, #tpu.memory_space<vmem>>) target(%dma_start3A_151 : memref<64x128xf32, #tpu.memory_space<hbm>>) target_semaphore(%arg13 : memref<!tpu.dma_semaphore, #tpu.memory_space<semaphore_mem>>)
    %dma_wait3A_155 = arith.constant 256 : i32
    %dma_wait3A_156 = arith.constant 0 : i32
    %dma_wait3A_157 = tpu.memref_slice %arg6[%dma_wait3A_155, %dma_wait3A_156] : memref<512x128xf32, #tpu.memory_space<vmem>> -> memref<64x128xf32, #tpu.memory_space<vmem>>
    %dma_wait3A_158 = arith.constant 256 : i32
    %dma_wait3A_159 = tpu.memref_slice %arg5[%dma_wait3A_158] : memref<512xi32, #tpu.memory_space<vmem>> -> memref<64xi32, #tpu.memory_space<vmem>>
    %dma_wait3A_160 = arith.constant 0 : i32
    %dma_wait3A_161 = arith.constant 0 : i32
    %dma_wait3A_162 = tpu.memref_slice %arg7[%dma_wait3A_160, %dma_wait3A_161] : memref<1000x128xf32, #tpu.memory_space<vmem_shared>> -> memref<1000x128xf32, #tpu.memory_space<vmem_shared>>
    tpu.wait_indirect_dma semaphore(%arg9 : memref<!tpu.dma_semaphore, #tpu.memory_space<semaphore_mem>>) src(%dma_wait3A_162 : memref<1000x128xf32, #tpu.memory_space<vmem_shared>>) dst(%dma_wait3A_157 : memref<64x128xf32, #tpu.memory_space<vmem>>)
    %add3A_163 = arith.constant 256 : i32
    %add3A_164 = arith.addi %mul3A_2, %add3A_163 : i32
    %dma_start3A_165 = arith.constant 256 : i32
    %dma_start3A_166 = arith.constant 0 : i32
    %dma_start3A_167 = tpu.memref_slice %arg6[%dma_start3A_165, %dma_start3A_166] : memref<512x128xf32, #tpu.memory_space<vmem>> -> memref<64x128xf32, #tpu.memory_space<vmem>>
    %dma_start3A_168 = arith.constant 0 : i32
    %dma_start3A_169 = tpu.memref_slice %arg4[%add3A_164, %dma_start3A_168] : memref<16384x128xf32, #tpu.memory_space<hbm>> -> memref<64x128xf32, #tpu.memory_space<hbm>>
    %dma_start3A_170 = arith.constant 0 : i32
    %dma_start3A_171 = tpu.memref_slice %arg4[%add3A_164, %dma_start3A_170] : memref<16384x128xf32, #tpu.memory_space<hbm>> -> memref<64x128xf32, #tpu.memory_space<hbm>>
    %dma_start3A_172 = arith.constant 256 : i32
    %dma_start3A_173 = arith.constant 0 : i32
    %dma_start3A_174 = tpu.memref_slice %arg6[%dma_start3A_172, %dma_start3A_173] : memref<512x128xf32, #tpu.memory_space<vmem>> -> memref<64x128xf32, #tpu.memory_space<vmem>>
    tpu.enqueue_dma source(%dma_start3A_174 : memref<64x128xf32, #tpu.memory_space<vmem>>) target(%dma_start3A_171 : memref<64x128xf32, #tpu.memory_space<hbm>>) target_semaphore(%arg14 : memref<!tpu.dma_semaphore, #tpu.memory_space<semaphore_mem>>)
    %dma_wait3A_175 = arith.constant 320 : i32
    %dma_wait3A_176 = arith.constant 0 : i32
    %dma_wait3A_177 = tpu.memref_slice %arg6[%dma_wait3A_175, %dma_wait3A_176] : memref<512x128xf32, #tpu.memory_space<vmem>> -> memref<64x128xf32, #tpu.memory_space<vmem>>
    %dma_wait3A_178 = arith.constant 320 : i32
    %dma_wait3A_179 = tpu.memref_slice %arg5[%dma_wait3A_178] : memref<512xi32, #tpu.memory_space<vmem>> -> memref<64xi32, #tpu.memory_space<vmem>>
    %dma_wait3A_180 = arith.constant 0 : i32
    %dma_wait3A_181 = arith.constant 0 : i32
    %dma_wait3A_182 = tpu.memref_slice %arg7[%dma_wait3A_180, %dma_wait3A_181] : memref<1000x128xf32, #tpu.memory_space<vmem_shared>> -> memref<1000x128xf32, #tpu.memory_space<vmem_shared>>
    tpu.wait_indirect_dma semaphore(%arg9 : memref<!tpu.dma_semaphore, #tpu.memory_space<semaphore_mem>>) src(%dma_wait3A_182 : memref<1000x128xf32, #tpu.memory_space<vmem_shared>>) dst(%dma_wait3A_177 : memref<64x128xf32, #tpu.memory_space<vmem>>)
    %add3A_183 = arith.constant 320 : i32
    %add3A_184 = arith.addi %mul3A_2, %add3A_183 : i32
    %dma_start3A_185 = arith.constant 320 : i32
    %dma_start3A_186 = arith.constant 0 : i32
    %dma_start3A_187 = tpu.memref_slice %arg6[%dma_start3A_185, %dma_start3A_186] : memref<512x128xf32, #tpu.memory_space<vmem>> -> memref<64x128xf32, #tpu.memory_space<vmem>>
    %dma_start3A_188 = arith.constant 0 : i32
    %dma_start3A_189 = tpu.memref_slice %arg4[%add3A_184, %dma_start3A_188] : memref<16384x128xf32, #tpu.memory_space<hbm>> -> memref<64x128xf32, #tpu.memory_space<hbm>>
    %dma_start3A_190 = arith.constant 0 : i32
    %dma_start3A_191 = tpu.memref_slice %arg4[%add3A_184, %dma_start3A_190] : memref<16384x128xf32, #tpu.memory_space<hbm>> -> memref<64x128xf32, #tpu.memory_space<hbm>>
    %dma_start3A_192 = arith.constant 320 : i32
    %dma_start3A_193 = arith.constant 0 : i32
    %dma_start3A_194 = tpu.memref_slice %arg6[%dma_start3A_192, %dma_start3A_193] : memref<512x128xf32, #tpu.memory_space<vmem>> -> memref<64x128xf32, #tpu.memory_space<vmem>>
    tpu.enqueue_dma source(%dma_start3A_194 : memref<64x128xf32, #tpu.memory_space<vmem>>) target(%dma_start3A_191 : memref<64x128xf32, #tpu.memory_space<hbm>>) target_semaphore(%arg15 : memref<!tpu.dma_semaphore, #tpu.memory_space<semaphore_mem>>)
    %dma_wait3A_195 = arith.constant 384 : i32
    %dma_wait3A_196 = arith.constant 0 : i32
    %dma_wait3A_197 = tpu.memref_slice %arg6[%dma_wait3A_195, %dma_wait3A_196] : memref<512x128xf32, #tpu.memory_space<vmem>> -> memref<64x128xf32, #tpu.memory_space<vmem>>
    %dma_wait3A_198 = arith.constant 384 : i32
    %dma_wait3A_199 = tpu.memref_slice %arg5[%dma_wait3A_198] : memref<512xi32, #tpu.memory_space<vmem>> -> memref<64xi32, #tpu.memory_space<vmem>>
    %dma_wait3A_200 = arith.constant 0 : i32
    %dma_wait3A_201 = arith.constant 0 : i32
    %dma_wait3A_202 = tpu.memref_slice %arg7[%dma_wait3A_200, %dma_wait3A_201] : memref<1000x128xf32, #tpu.memory_space<vmem_shared>> -> memref<1000x128xf32, #tpu.memory_space<vmem_shared>>
    tpu.wait_indirect_dma semaphore(%arg9 : memref<!tpu.dma_semaphore, #tpu.memory_space<semaphore_mem>>) src(%dma_wait3A_202 : memref<1000x128xf32, #tpu.memory_space<vmem_shared>>) dst(%dma_wait3A_197 : memref<64x128xf32, #tpu.memory_space<vmem>>)
    %add3A_203 = arith.constant 384 : i32
    %add3A_204 = arith.addi %mul3A_2, %add3A_203 : i32
    %dma_start3A_205 = arith.constant 384 : i32
    %dma_start3A_206 = arith.constant 0 : i32
    %dma_start3A_207 = tpu.memref_slice %arg6[%dma_start3A_205, %dma_start3A_206] : memref<512x128xf32, #tpu.memory_space<vmem>> -> memref<64x128xf32, #tpu.memory_space<vmem>>
    %dma_start3A_208 = arith.constant 0 : i32
    %dma_start3A_209 = tpu.memref_slice %arg4[%add3A_204, %dma_start3A_208] : memref<16384x128xf32, #tpu.memory_space<hbm>> -> memref<64x128xf32, #tpu.memory_space<hbm>>
    %dma_start3A_210 = arith.constant 0 : i32
    %dma_start3A_211 = tpu.memref_slice %arg4[%add3A_204, %dma_start3A_210] : memref<16384x128xf32, #tpu.memory_space<hbm>> -> memref<64x128xf32, #tpu.memory_space<hbm>>
    %dma_start3A_212 = arith.constant 384 : i32
    %dma_start3A_213 = arith.constant 0 : i32
    %dma_start3A_214 = tpu.memref_slice %arg6[%dma_start3A_212, %dma_start3A_213] : memref<512x128xf32, #tpu.memory_space<vmem>> -> memref<64x128xf32, #tpu.memory_space<vmem>>
    tpu.enqueue_dma source(%dma_start3A_214 : memref<64x128xf32, #tpu.memory_space<vmem>>) target(%dma_start3A_211 : memref<64x128xf32, #tpu.memory_space<hbm>>) target_semaphore(%arg16 : memref<!tpu.dma_semaphore, #tpu.memory_space<semaphore_mem>>)
    %dma_wait3A_215 = arith.constant 448 : i32
    %dma_wait3A_216 = arith.constant 0 : i32
    %dma_wait3A_217 = tpu.memref_slice %arg6[%dma_wait3A_215, %dma_wait3A_216] : memref<512x128xf32, #tpu.memory_space<vmem>> -> memref<64x128xf32, #tpu.memory_space<vmem>>
    %dma_wait3A_218 = arith.constant 448 : i32
    %dma_wait3A_219 = tpu.memref_slice %arg5[%dma_wait3A_218] : memref<512xi32, #tpu.memory_space<vmem>> -> memref<64xi32, #tpu.memory_space<vmem>>
    %dma_wait3A_220 = arith.constant 0 : i32
    %dma_wait3A_221 = arith.constant 0 : i32
    %dma_wait3A_222 = tpu.memref_slice %arg7[%dma_wait3A_220, %dma_wait3A_221] : memref<1000x128xf32, #tpu.memory_space<vmem_shared>> -> memref<1000x128xf32, #tpu.memory_space<vmem_shared>>
    tpu.wait_indirect_dma semaphore(%arg9 : memref<!tpu.dma_semaphore, #tpu.memory_space<semaphore_mem>>) src(%dma_wait3A_222 : memref<1000x128xf32, #tpu.memory_space<vmem_shared>>) dst(%dma_wait3A_217 : memref<64x128xf32, #tpu.memory_space<vmem>>)
    %add3A_223 = arith.constant 448 : i32
    %add3A_224 = arith.addi %mul3A_2, %add3A_223 : i32
    %dma_start3A_225 = arith.constant 448 : i32
    %dma_start3A_226 = arith.constant 0 : i32
    %dma_start3A_227 = tpu.memref_slice %arg6[%dma_start3A_225, %dma_start3A_226] : memref<512x128xf32, #tpu.memory_space<vmem>> -> memref<64x128xf32, #tpu.memory_space<vmem>>
    %dma_start3A_228 = arith.constant 0 : i32
    %dma_start3A_229 = tpu.memref_slice %arg4[%add3A_224, %dma_start3A_228] : memref<16384x128xf32, #tpu.memory_space<hbm>> -> memref<64x128xf32, #tpu.memory_space<hbm>>
    %dma_start3A_230 = arith.constant 0 : i32
    %dma_start3A_231 = tpu.memref_slice %arg4[%add3A_224, %dma_start3A_230] : memref<16384x128xf32, #tpu.memory_space<hbm>> -> memref<64x128xf32, #tpu.memory_space<hbm>>
    %dma_start3A_232 = arith.constant 448 : i32
    %dma_start3A_233 = arith.constant 0 : i32
    %dma_start3A_234 = tpu.memref_slice %arg6[%dma_start3A_232, %dma_start3A_233] : memref<512x128xf32, #tpu.memory_space<vmem>> -> memref<64x128xf32, #tpu.memory_space<vmem>>
    tpu.enqueue_dma source(%dma_start3A_234 : memref<64x128xf32, #tpu.memory_space<vmem>>) target(%dma_start3A_231 : memref<64x128xf32, #tpu.memory_space<hbm>>) target_semaphore(%arg17 : memref<!tpu.dma_semaphore, #tpu.memory_space<semaphore_mem>>)
    %dma_wait3A_235 = arith.constant 0 : i32
    %dma_wait3A_236 = arith.constant 0 : i32
    %dma_wait3A_237 = tpu.memref_slice %arg6[%dma_wait3A_235, %dma_wait3A_236] : memref<512x128xf32, #tpu.memory_space<vmem>> -> memref<64x128xf32, #tpu.memory_space<vmem>>
    %dma_wait3A_238 = arith.constant 0 : i32
    %dma_wait3A_239 = tpu.memref_slice %arg4[%add3A_84, %dma_wait3A_238] : memref<16384x128xf32, #tpu.memory_space<hbm>> -> memref<64x128xf32, #tpu.memory_space<hbm>>
    %dma_wait3A_240 = arith.constant 0 : i32
    %dma_wait3A_241 = tpu.memref_slice %arg4[%add3A_84, %dma_wait3A_240] : memref<16384x128xf32, #tpu.memory_space<hbm>> -> memref<64x128xf32, #tpu.memory_space<hbm>>
    %dma_wait3A_242 = arith.constant 0 : i32
    %dma_wait3A_243 = arith.constant 0 : i32
    %dma_wait3A_244 = tpu.memref_slice %arg6[%dma_wait3A_242, %dma_wait3A_243] : memref<512x128xf32, #tpu.memory_space<vmem>> -> memref<64x128xf32, #tpu.memory_space<vmem>>
    tpu.wait_dma2 semaphore(%arg10 : memref<!tpu.dma_semaphore, #tpu.memory_space<semaphore_mem>>) src(%dma_wait3A_244 : memref<64x128xf32, #tpu.memory_space<vmem>>) dst(%dma_wait3A_241 : memref<64x128xf32, #tpu.memory_space<hbm>>)
    %dma_wait3A_245 = arith.constant 64 : i32
    %dma_wait3A_246 = arith.constant 0 : i32
    %dma_wait3A_247 = tpu.memref_slice %arg6[%dma_wait3A_245, %dma_wait3A_246] : memref<512x128xf32, #tpu.memory_space<vmem>> -> memref<64x128xf32, #tpu.memory_space<vmem>>
    %dma_wait3A_248 = arith.constant 0 : i32
    %dma_wait3A_249 = tpu.memref_slice %arg4[%add3A_104, %dma_wait3A_248] : memref<16384x128xf32, #tpu.memory_space<hbm>> -> memref<64x128xf32, #tpu.memory_space<hbm>>
    %dma_wait3A_250 = arith.constant 0 : i32
    %dma_wait3A_251 = tpu.memref_slice %arg4[%add3A_104, %dma_wait3A_250] : memref<16384x128xf32, #tpu.memory_space<hbm>> -> memref<64x128xf32, #tpu.memory_space<hbm>>
    %dma_wait3A_252 = arith.constant 64 : i32
    %dma_wait3A_253 = arith.constant 0 : i32
    %dma_wait3A_254 = tpu.memref_slice %arg6[%dma_wait3A_252, %dma_wait3A_253] : memref<512x128xf32, #tpu.memory_space<vmem>> -> memref<64x128xf32, #tpu.memory_space<vmem>>
    tpu.wait_dma2 semaphore(%arg11 : memref<!tpu.dma_semaphore, #tpu.memory_space<semaphore_mem>>) src(%dma_wait3A_254 : memref<64x128xf32, #tpu.memory_space<vmem>>) dst(%dma_wait3A_251 : memref<64x128xf32, #tpu.memory_space<hbm>>)
    %dma_wait3A_255 = arith.constant 128 : i32
    %dma_wait3A_256 = arith.constant 0 : i32
    %dma_wait3A_257 = tpu.memref_slice %arg6[%dma_wait3A_255, %dma_wait3A_256] : memref<512x128xf32, #tpu.memory_space<vmem>> -> memref<64x128xf32, #tpu.memory_space<vmem>>
    %dma_wait3A_258 = arith.constant 0 : i32
    %dma_wait3A_259 = tpu.memref_slice %arg4[%add3A_124, %dma_wait3A_258] : memref<16384x128xf32, #tpu.memory_space<hbm>> -> memref<64x128xf32, #tpu.memory_space<hbm>>
    %dma_wait3A_260 = arith.constant 0 : i32
    %dma_wait3A_261 = tpu.memref_slice %arg4[%add3A_124, %dma_wait3A_260] : memref<16384x128xf32, #tpu.memory_space<hbm>> -> memref<64x128xf32, #tpu.memory_space<hbm>>
    %dma_wait3A_262 = arith.constant 128 : i32
    %dma_wait3A_263 = arith.constant 0 : i32
    %dma_wait3A_264 = tpu.memref_slice %arg6[%dma_wait3A_262, %dma_wait3A_263] : memref<512x128xf32, #tpu.memory_space<vmem>> -> memref<64x128xf32, #tpu.memory_space<vmem>>
    tpu.wait_dma2 semaphore(%arg12 : memref<!tpu.dma_semaphore, #tpu.memory_space<semaphore_mem>>) src(%dma_wait3A_264 : memref<64x128xf32, #tpu.memory_space<vmem>>) dst(%dma_wait3A_261 : memref<64x128xf32, #tpu.memory_space<hbm>>)
    %dma_wait3A_265 = arith.constant 192 : i32
    %dma_wait3A_266 = arith.constant 0 : i32
    %dma_wait3A_267 = tpu.memref_slice %arg6[%dma_wait3A_265, %dma_wait3A_266] : memref<512x128xf32, #tpu.memory_space<vmem>> -> memref<64x128xf32, #tpu.memory_space<vmem>>
    %dma_wait3A_268 = arith.constant 0 : i32
    %dma_wait3A_269 = tpu.memref_slice %arg4[%add3A_144, %dma_wait3A_268] : memref<16384x128xf32, #tpu.memory_space<hbm>> -> memref<64x128xf32, #tpu.memory_space<hbm>>
    %dma_wait3A_270 = arith.constant 0 : i32
    %dma_wait3A_271 = tpu.memref_slice %arg4[%add3A_144, %dma_wait3A_270] : memref<16384x128xf32, #tpu.memory_space<hbm>> -> memref<64x128xf32, #tpu.memory_space<hbm>>
    %dma_wait3A_272 = arith.constant 192 : i32
    %dma_wait3A_273 = arith.constant 0 : i32
    %dma_wait3A_274 = tpu.memref_slice %arg6[%dma_wait3A_272, %dma_wait3A_273] : memref<512x128xf32, #tpu.memory_space<vmem>> -> memref<64x128xf32, #tpu.memory_space<vmem>>
    tpu.wait_dma2 semaphore(%arg13 : memref<!tpu.dma_semaphore, #tpu.memory_space<semaphore_mem>>) src(%dma_wait3A_274 : memref<64x128xf32, #tpu.memory_space<vmem>>) dst(%dma_wait3A_271 : memref<64x128xf32, #tpu.memory_space<hbm>>)
    %dma_wait3A_275 = arith.constant 256 : i32
    %dma_wait3A_276 = arith.constant 0 : i32
    %dma_wait3A_277 = tpu.memref_slice %arg6[%dma_wait3A_275, %dma_wait3A_276] : memref<512x128xf32, #tpu.memory_space<vmem>> -> memref<64x128xf32, #tpu.memory_space<vmem>>
    %dma_wait3A_278 = arith.constant 0 : i32
    %dma_wait3A_279 = tpu.memref_slice %arg4[%add3A_164, %dma_wait3A_278] : memref<16384x128xf32, #tpu.memory_space<hbm>> -> memref<64x128xf32, #tpu.memory_space<hbm>>
    %dma_wait3A_280 = arith.constant 0 : i32
    %dma_wait3A_281 = tpu.memref_slice %arg4[%add3A_164, %dma_wait3A_280] : memref<16384x128xf32, #tpu.memory_space<hbm>> -> memref<64x128xf32, #tpu.memory_space<hbm>>
    %dma_wait3A_282 = arith.constant 256 : i32
    %dma_wait3A_283 = arith.constant 0 : i32
    %dma_wait3A_284 = tpu.memref_slice %arg6[%dma_wait3A_282, %dma_wait3A_283] : memref<512x128xf32, #tpu.memory_space<vmem>> -> memref<64x128xf32, #tpu.memory_space<vmem>>
    tpu.wait_dma2 semaphore(%arg14 : memref<!tpu.dma_semaphore, #tpu.memory_space<semaphore_mem>>) src(%dma_wait3A_284 : memref<64x128xf32, #tpu.memory_space<vmem>>) dst(%dma_wait3A_281 : memref<64x128xf32, #tpu.memory_space<hbm>>)
    %dma_wait3A_285 = arith.constant 320 : i32
    %dma_wait3A_286 = arith.constant 0 : i32
    %dma_wait3A_287 = tpu.memref_slice %arg6[%dma_wait3A_285, %dma_wait3A_286] : memref<512x128xf32, #tpu.memory_space<vmem>> -> memref<64x128xf32, #tpu.memory_space<vmem>>
    %dma_wait3A_288 = arith.constant 0 : i32
    %dma_wait3A_289 = tpu.memref_slice %arg4[%add3A_184, %dma_wait3A_288] : memref<16384x128xf32, #tpu.memory_space<hbm>> -> memref<64x128xf32, #tpu.memory_space<hbm>>
    %dma_wait3A_290 = arith.constant 0 : i32
    %dma_wait3A_291 = tpu.memref_slice %arg4[%add3A_184, %dma_wait3A_290] : memref<16384x128xf32, #tpu.memory_space<hbm>> -> memref<64x128xf32, #tpu.memory_space<hbm>>
    %dma_wait3A_292 = arith.constant 320 : i32
    %dma_wait3A_293 = arith.constant 0 : i32
    %dma_wait3A_294 = tpu.memref_slice %arg6[%dma_wait3A_292, %dma_wait3A_293] : memref<512x128xf32, #tpu.memory_space<vmem>> -> memref<64x128xf32, #tpu.memory_space<vmem>>
    tpu.wait_dma2 semaphore(%arg15 : memref<!tpu.dma_semaphore, #tpu.memory_space<semaphore_mem>>) src(%dma_wait3A_294 : memref<64x128xf32, #tpu.memory_space<vmem>>) dst(%dma_wait3A_291 : memref<64x128xf32, #tpu.memory_space<hbm>>)
    %dma_wait3A_295 = arith.constant 384 : i32
    %dma_wait3A_296 = arith.constant 0 : i32
    %dma_wait3A_297 = tpu.memref_slice %arg6[%dma_wait3A_295, %dma_wait3A_296] : memref<512x128xf32, #tpu.memory_space<vmem>> -> memref<64x128xf32, #tpu.memory_space<vmem>>
    %dma_wait3A_298 = arith.constant 0 : i32
    %dma_wait3A_299 = tpu.memref_slice %arg4[%add3A_204, %dma_wait3A_298] : memref<16384x128xf32, #tpu.memory_space<hbm>> -> memref<64x128xf32, #tpu.memory_space<hbm>>
    %dma_wait3A_300 = arith.constant 0 : i32
    %dma_wait3A_301 = tpu.memref_slice %arg4[%add3A_204, %dma_wait3A_300] : memref<16384x128xf32, #tpu.memory_space<hbm>> -> memref<64x128xf32, #tpu.memory_space<hbm>>
    %dma_wait3A_302 = arith.constant 384 : i32
    %dma_wait3A_303 = arith.constant 0 : i32
    %dma_wait3A_304 = tpu.memref_slice %arg6[%dma_wait3A_302, %dma_wait3A_303] : memref<512x128xf32, #tpu.memory_space<vmem>> -> memref<64x128xf32, #tpu.memory_space<vmem>>
    tpu.wait_dma2 semaphore(%arg16 : memref<!tpu.dma_semaphore, #tpu.memory_space<semaphore_mem>>) src(%dma_wait3A_304 : memref<64x128xf32, #tpu.memory_space<vmem>>) dst(%dma_wait3A_301 : memref<64x128xf32, #tpu.memory_space<hbm>>)
    %dma_wait3A_305 = arith.constant 448 : i32
    %dma_wait3A_306 = arith.constant 0 : i32
    %dma_wait3A_307 = tpu.memref_slice %arg6[%dma_wait3A_305, %dma_wait3A_306] : memref<512x128xf32, #tpu.memory_space<vmem>> -> memref<64x128xf32, #tpu.memory_space<vmem>>
    %dma_wait3A_308 = arith.constant 0 : i32
    %dma_wait3A_309 = tpu.memref_slice %arg4[%add3A_224, %dma_wait3A_308] : memref<16384x128xf32, #tpu.memory_space<hbm>> -> memref<64x128xf32, #tpu.memory_space<hbm>>
    %dma_wait3A_310 = arith.constant 0 : i32
    %dma_wait3A_311 = tpu.memref_slice %arg4[%add3A_224, %dma_wait3A_310] : memref<16384x128xf32, #tpu.memory_space<hbm>> -> memref<64x128xf32, #tpu.memory_space<hbm>>
    %dma_wait3A_312 = arith.constant 448 : i32
    %dma_wait3A_313 = arith.constant 0 : i32
    %dma_wait3A_314 = tpu.memref_slice %arg6[%dma_wait3A_312, %dma_wait3A_313] : memref<512x128xf32, #tpu.memory_space<vmem>> -> memref<64x128xf32, #tpu.memory_space<vmem>>
    tpu.wait_dma2 semaphore(%arg17 : memref<!tpu.dma_semaphore, #tpu.memory_space<semaphore_mem>>) src(%dma_wait3A_314 : memref<64x128xf32, #tpu.memory_space<vmem>>) dst(%dma_wait3A_311 : memref<64x128xf32, #tpu.memory_space<hbm>>)
    return
  }
}

module attributes {stable_mosaic.version = 14 : i64} {
  func.func @_fuse_table_body(%arg0: memref<64x1000xf32, #tpu.memory_space<vmem>>, %arg1: memref<64x128xf32, #tpu.memory_space<vmem>>, %arg2: memref<1x128xf32, #tpu.memory_space<vmem>>, %arg3: memref<1000x128xf32, #tpu.memory_space<vmem>>) attributes {dimension_semantics = [], scalar_prefetch = 0 : i64, scratch_operands = 0 : i64, tpu.core_type = #tpu.core_type<tc>} {
    %get3A = arith.constant 0 : index
    %get3A_0 = arith.constant 0 : index
    %get3A_1 = vector.load %arg0[%get3A, %get3A_0] : memref<64x1000xf32, #tpu.memory_space<vmem>>, vector<64x1000xf32>
    %logistic3A = arith.negf %get3A_1 : vector<64x1000xf32>
    %logistic3A_2 = math.exp %logistic3A : vector<64x1000xf32>
    %logistic3A_3 = arith.constant 1.000000e+00 : f32
    %logistic3A_4 = vector.broadcast %logistic3A_3 : f32 to vector<64x1000xf32>
    %logistic3A_5 = arith.addf %logistic3A_4, %logistic3A_2 : vector<64x1000xf32>
    %logistic3A_6 = arith.divf %logistic3A_4, %logistic3A_5 : vector<64x1000xf32>
    %mul3A = arith.mulf %get3A_1, %logistic3A_6 : vector<64x1000xf32>
    %get3A_7 = arith.constant 0 : index
    %get3A_8 = arith.constant 0 : index
    %get3A_9 = vector.load %arg1[%get3A_7, %get3A_8] : memref<64x128xf32, #tpu.memory_space<vmem>>, vector<64x128xf32>
    %dot_general3A = arith.constant dense<0.000000e+00> : vector<1000x128xf32>
    %dot_general3A_10 = tpu.matmul %mul3A, %get3A_9, %dot_general3A {dimension_numbers = #tpu.dot_dimension_numbers<[0], [0], [1], [1], [0, 1, 1, 1], [], []>, transpose_lhs_hint = false} : vector<64x1000xf32>, vector<64x128xf32>, vector<1000x128xf32> -> vector<1000x128xf32>
    %get3A_11 = arith.constant 0 : index
    %get3A_12 = arith.constant 0 : index
    %get3A_13 = vector.load %arg2[%get3A_11, %get3A_12] : memref<1x128xf32, #tpu.memory_space<vmem>>, vector<1x128xf32>
    %add3A = vector.broadcast %get3A_13 : vector<1x128xf32> to vector<1000x128xf32>
    %add3A_14 = arith.addf %dot_general3A_10, %add3A : vector<1000x128xf32>
    %swap3A = arith.constant 0 : index
    %swap3A_15 = arith.constant 0 : index
    %swap3A_16 = vector.load %arg3[%swap3A, %swap3A_15] : memref<1000x128xf32, #tpu.memory_space<vmem>>, vector<1000x128xf32>
    tpu.vector_store %arg3[%swap3A, %swap3A_15], %add3A_14 {strides = array<i32>} : memref<1000x128xf32, #tpu.memory_space<vmem>>, vector<1000x128xf32>,
    return
  }
}

</mosaic_0001>

<sc_bundles>
// kernel: kernel.4.cloned.1.call-start
scs
__scs_entry_jumppad:
0x0: {  	(pc) =	sbr.rel $0x88, $3  }
0x1: {  	(tag) =	ssettag $0x0;
	lr =	simm.s32 $0x1  }
0x2: {  	[smem:$0x3F9D] =	sst lr;
	_ =	strace $0xD0000000  }
0x3: {  	_ = 	snop  }
0x4: {  	_ = 	snop  }
0x5: {  	_ = 	snop  }
0x6: {  	_ = 	snop  }
0x7: {  	_ = 	snop  }
__scs_overlays_trampoline_lowered:
0x8: {  	[smem:$0x3FAC] =	sst s0  }
0x9: {  	[smem:$0x3FAD] =	sst s1  }
0xa: {  	[smem:$0x3FAE] =	sst s2  }
0xb: {  	[smem:$0x3FAF] =	sst s3  }
0xc: {  	[smem:$0x3FB0] =	sst s4  }
0xd: {  	[smem:$0x3FB1] =	sst s5  }
0xe: {  	[smem:$0x3FB2] =	sst s6  }
0xf: {  	[smem:$0x3FB3] =	sst s7  }
0x10: {  	[smem:$0x3FB4] =	sst s8  }
0x11: {  	[smem:$0x3FB5] =	sst s9;
	s0 =	simm.s32 @!p0 $0x0  }
0x12: {  	s1 =	sld [smem:$0x3F9B];
	s0 =	simm.s32 @p0 $0x1  }
0x13: {  	[smem:$0x3FB6] =	sst s0;
	s0 =	simm.s32 @!p1 $0x0  }
0x14: {  	s2 =	sld [smem:$0x3F9A];
	s0 =	simm.s32 @p1 $0x1  }
0x15: {  	[smem:$0x3FB7] =	sst s0;
	s0 =	simm.s32 @!p2 $0x0  }
0x16: {  	s3 =	sld [smem:$0x3FDB];
	s0 =	simm.s32 @p2 $0x1  }
0x17: {  	s4 =	simm.s32 $0x1BF5;
	[smem:$0x3FB9] =	sst s0  }
0x18: {  	s0 =	sld [smem:$0x3F9C];
	_ =	swait.ge [sflag:s4], $0x0  }
0x19: {  	s7 =	sld [smem:$0x3F9D]  }
0x1a: {  	s8 =	sadd.s32 $0xFFFFE003, lr  }
0x1b: {  	s9 =	sadd.s32 $0xFFFFFEF7, lr;
	s5 =	simm.s32 $0xFFFFFFFF;
	p2 =	slt.u32 s8, $0xFFFFF086  }
0x1c: {  	p1 =	slt.u32 s9, $0xF7A;
	s5 =	simm.s32 @!p2 $0x0  }
0x1d: {  	s5 =	simm.s32 @p1 $0x1;
	p0 =	seq.s32 s7, s2  }
0x1e: {  	s7 =	smul.u32 @!p0 $0xF7A, s2;
	p2 =	seq.s32 @!p0 s5, $0x0  }
0x1f: {  	s9 =	smul.u32 $0xF7A, s1;
	s8 =	simm.s32 @!p0 $0x1BF5;
	p2 =	por !p2, p0  }
0x20: {  	[sflag:s8] =	ssyncset.s32 @!p0 $0xFFFFF086;
	s6 =	sadd.s32 @!p0 s3, s7;
	s7 =	simm.s32 @!p0 $0x108  }
0x21: {  	s3 =	sadd.s32 s3, s9;
	s6 =	sadd.s32 @!p0 $0x88, s6;
	s7 =	simm.s32 @p2 $0x1082  }
0x22: {  	[simem:s7], [sflag:s8] =	dma.local @!p0 [hbm:s6], $0xF7A  }
0x23: {  	s9 =	sor.u32 $0xD0000000, s2;
	s6 =	simm.s32 $0x108;
	_ =	swait.ge @!p0 [sflag:s8], $0x0  }
0x24: {  	s3 =	sadd.s32 $0x88, s3;
	s6 =	simm.s32 @!p1 $0x1082;
	[sflag:s4] =	ssyncset.s32 $0xFFFFF086  }
0x25: {  	[simem:s6], [sflag:s4] =	dma.local [hbm:s3], $0xF7A  }
0x26: {  	[smem:$0x3F9D] =	sst s1;
	(tag) =	ssettag s2;
	_ =	strace s9  }
0x27: {  	s1 =	sld [smem:$0x3FAD]  }
0x28: {  	s2 =	sld [smem:$0x3FAE]  }
0x29: {  	s4 =	sld [smem:$0x3FB0]  }
0x2a: {  	p0 =	seq.s32 s5, $0x0;
	s5 =	sld [smem:$0x3FB1]  }
0x2b: {  	s6 =	sld [smem:$0x3FB2]  }
0x2c: {  	s7 =	sld [smem:$0x3FB3]  }
0x2d: {  	s3 =	simm.s32 $0x108;
	s8 =	sld [smem:$0x3FB4]  }
0x2e: {  	s3 =	simm.s32 @!p0 $0x1082;
	s9 =	sld [smem:$0x3FB5]  }
0x2f: {  	lr =	sadd.s32 s0, s3;
	s0 =	sld [smem:$0x3FAC]  }
0x30: {  	s3 =	sld [smem:$0x3FAF]  }
0x31: {  	[smem:$0x3FB8] =	sst s10  }
0x32: {  	s10 =	sld [smem:$0x3FB6];
	_ =	sdelay $0x3  }
0x33: {  	p0 =	seq.s32 s10, $0x1;
	s10 =	sld [smem:$0x3FB8];
	_ =	sdelay $0x3  }
0x34: {  	[smem:$0x3FB8] =	sst s10  }
0x35: {  	s10 =	sld [smem:$0x3FB7];
	_ =	sdelay $0x3  }
0x36: {  	p1 =	seq.s32 s10, $0x1;
	s10 =	sld [smem:$0x3FB8];
	_ =	sdelay $0x3  }
0x37: {  	[smem:$0x3FB8] =	sst s10  }
0x38: {  	s10 =	sld [smem:$0x3FB9]  }
0x39: {  	_ = 	snop;
	(pc) =	sbr.ind lr, $3  }
0x3a: {  	_ = 	snop  }
0x3b: {  	_ = 	snop  }
0x3c: {  	p2 =	seq.s32 s10, $0x1;
	s10 =	sld [smem:$0x3FB8]  }
0x3d: {  	_ =	shalt  }
0x3e: {  	_ =	shalt  }
0x3f: {  	_ =	shalt  }
0x40: {  	_ =	shalt  }
0x41: {  	_ =	shalt  }
0x42: {  	_ =	shalt  }
0x43: {  	_ =	shalt  }
0x44: {  	_ =	shalt  }
0x45: {  	_ =	shalt  }
0x46: {  	_ =	shalt  }
0x47: {  	_ =	shalt  }
0x48: {  	_ =	shalt  }
0x49: {  	_ =	shalt  }
0x4a: {  	_ =	shalt  }
0x4b: {  	_ =	shalt  }
0x4c: {  	_ =	shalt  }
0x4d: {  	_ =	shalt  }
0x4e: {  	_ =	shalt  }
0x4f: {  	_ =	shalt  }
0x50: {  	_ =	shalt  }
0x51: {  	_ =	shalt  }
0x52: {  	_ =	shalt  }
0x53: {  	_ =	shalt  }
0x54: {  	_ =	shalt  }
0x55: {  	_ =	shalt  }
0x56: {  	_ =	shalt  }
0x57: {  	_ =	shalt  }
0x58: {  	_ =	shalt  }
0x59: {  	_ =	shalt  }
0x5a: {  	_ =	shalt  }
0x5b: {  	_ =	shalt  }
0x5c: {  	_ =	shalt  }
0x5d: {  	_ =	shalt  }
0x5e: {  	_ =	shalt  }
0x5f: {  	_ =	shalt  }
0x60: {  	_ =	shalt  }
0x61: {  	_ =	shalt  }
0x62: {  	_ =	shalt  }
0x63: {  	_ =	shalt  }
0x64: {  	_ =	shalt  }
0x65: {  	_ =	shalt  }
0x66: {  	_ =	shalt  }
0x67: {  	_ =	shalt  }
0x68: {  	_ =	shalt  }
0x69: {  	_ =	shalt  }
0x6a: {  	_ =	shalt  }
0x6b: {  	_ =	shalt  }
0x6c: {  	_ =	shalt  }
0x6d: {  	_ =	shalt  }
0x6e: {  	_ =	shalt  }
0x6f: {  	_ =	shalt  }
0x70: {  	_ =	shalt  }
0x71: {  	_ =	shalt  }
0x72: {  	_ =	shalt  }
0x73: {  	_ =	shalt  }
0x74: {  	_ =	shalt  }
0x75: {  	_ =	shalt  }
0x76: {  	_ =	shalt  }
0x77: {  	_ =	shalt  }
0x78: {  	_ =	shalt  }
0x79: {  	_ =	shalt  }
0x7a: {  	_ =	shalt  }
0x7b: {  	_ =	shalt  }
0x7c: {  	_ =	shalt  }
0x7d: {  	_ =	shalt  }
0x7e: {  	_ =	shalt  }
0x7f: {  	_ =	shalt  }
0x80: {  	_ =	shalt  }
0x81: {  	_ =	shalt  }
0x82: {  	_ =	shalt  }
0x83: {  	_ =	shalt  }
0x84: {  	_ =	shalt  }
0x85: {  	_ =	shalt  }
0x86: {  	_ =	shalt  }
0x87: {  	_ =	shalt  }
.Lfunc_end0:
.L_simem_size_0:
called_computation_lowered:
.L_overlay_start_0:
0x88: {  	s2 =	sld [smem:$0x3FD9]  }
0x89: {  	s3 =	sld [smem:$0x3FFE];
	_ =	sdelay $0x1  }
0x8a: {  	s1 =	srdreg.scid  }
0x8b: {  	s0 =	sand.u32 $0x1, s1  }
0x8c: {  	s17 =	sshll.u32 s0, $0xA;
	s2 =	sadd.s32 s3, s2  }
0x8d: {  	s2 =	sadd.s32 s2, s17  }
0x8e: {  	[smem:$0x3FC4] =	sst s2  }
0x8f: {  	_ = 	snop  }
0x90: {  	s2 =	sld [smem:$0x3FC9]  }
0x91: {  	s18 =	sld [smem:$0x3FD0];
	(tm) =	ssettm $0x1  }
0x92: {  	s4 =	sld [smem:$0x3FFB];
	_ =	sdelay $0x3  }
0x93: {  	_ =	strace s4  }
0x94: {  	s4 =	sld [smem:$0x3FFC];
	_ =	sdelay $0x3  }
0x95: {  	_ =	strace s4  }
0x96: {  	s4 =	sld [smem:$0x3FFD];
	_ =	sdelay $0x3  }
0x97: {  	_ =	strace s4  }
0x98: {  	_ =	strace $0x8FFFFFFF  }
0x99: {  	s19 =	sld [smem:$0x3FDB];
	_ =	sdelay $0x1  }
0x9a: {  	s5 =	simm.s32 $_scs_section_size  }
0x9b: {  	s6 =	simm.s32 $_size__tile_overlayer_lowered;
	s7 =	simm.s32 $_tile_overlayer_lowered  }
0x9c: {  	s22 =	simm.s32 $0x1BFF;
	s21 =	sshll.u32 s7, $0x1;
	s4 =	sadd.s32 s5, s19  }
0x9d: {  	s8 =	simm.s32 $0x0;
	s20 =	sshll.u32 s6, $0x1;
	s6 =	sadd.s32 s21, s4  }
0x9e: {  	[timem:s8], [sflag:s22] =	dma.local [hbm:s6], s20  }
0x9f: {  	_ =	swait.ge [sflag:s22], s20  }
0xa0: {  	s5 =	ssub.s32 $0x0, s20;
	[sflag:s22] =	ssyncset.done $0x0  }
0xa1: {  	[sflag:s22] =	ssyncadd.s32 s5;
	_ =	sdelay $0x1  }
0xa2: {  	s23 =	simm.s32 $0x1B8B  }
0xa3: {  	_ =	swait.ge [sflag:s23], $0x1  }
0xa4: {  	[sflag:s23] =	ssyncset.done $0x0  }
0xa5: {  	s25 =	simm.s32 $0x1B8E;
	s24 =	sld [smem:$0x3FFE];
	[sflag:s23] =	ssyncadd.s32 $0xFFFFFFFF  }
0xa6: {  	s26 =	simm.s32 $execute0_lowered;
	[smem:$0x3FD2] =	sst s25  }
0xa7: {  	s6 =	sshll.u32 s26, $0x1;
	_ =	strace $0x80000046;
	[dreg:$0x1] =	wrdreg $0xFFFFFFFF  }
0xa8: {  	s28 =	simm.s32 $_size_execute0_lowered;
	s4 =	sadd.s32 s4, s6;
	[dreg:$0x0] =	wrdreg $0x0  }
0xa9: {  	s6 =	sshll.u32 s28, $0x1;
	[dreg:$0x2] =	wrdreg s4  }
0xaa: {  	[dreg:$0x3] =	wrdreg s6  }
0xab: {  	[dreg:$0x4] =	wrdreg $0xC0  }
0xac: {  	_ =	task [dreg:s8], $0x5FFFF  }
0xad: {  	[dreg:$0x1] =	wrdreg $0xFFFFFFFF  }
0xae: {  	[dreg:$0x0] =	wrdreg $0x60  }
0xaf: {  	[dreg:$0x2] =	wrdreg s24  }
0xb0: {  	[dreg:$0x3] =	wrdreg s2  }
0xb1: {  	[dreg:$0x4] =	wrdreg s18  }
0xb2: {  	[dreg:$0x5] =	wrdreg $0x102000  }
0xb3: {  	[dreg:$0x6] =	wrdreg $0x9  }
0xb4: {  	_ =	task.clear_ibuf [dreg:s8], $0x7FFFF;
	_ =	strace $0x90000046  }
0xb5: {  	s29 =	simm.s32 $0x9;
	_ =	strace $0x80000048  }
0xb6: {  	_ =	swait.ge [sflag:s29], $0x1  }
0xb7: {  	[sflag:s29] =	ssyncadd.s32 $0xFFFFFFFF  }
0xb8: {  	_ =	strace $0x90000048  }
0xb9: {  	_ =	sfence  }
0xba: {  	s30 =	sld [smem:$0x0];
	_ =	sdelay $0x2  }
0xbb: {  	s31 =	sshll.u32 s1, $0xD;
	s1 =	sshrl.u32 s1, $0x2  }
0xbc: {  	s3 =	sand.u32 $0x4000, s31;
	s1 =	sadd.s32 s1, s30  }
0xbd: {  	s0 =	sor.u32 s3, s0;
	s1 =	sshll.u32 s1, $0x11  }
0xbe: {  	s0 =	sor.u32 s1, s0  }
0xbf: {  	s0 =	sadd.s32 $0x8F2B, s0  }
0xc0: {  	[sflag:s0] =	ssyncadd.remote.s32 $0x1  }
0xc1: {  	_ =	sfence.sel $0xFFFF  }
0xc2: {  	[dreg:$0x0] =	wrdreg $0xFFFFFFFF;
	(pc) =	sbr.abs _section_cstart, $3  }
0xc3: {  	[dreg:$0x1] =	wrdreg $0xFFFFFFFF  }
0xc4: {  	_ =	task.clear_ibuf [dreg:s8], $0x2FFFF;
	_ =	strace $0x9FFFFFFF  }
0xc5: {  	(tm) =	ssettm $0x7FFFFFFF  }
tec
execute0_lowered:
.L_overlay_start_1:
0x0: {  	(tag) =	ssettag $0x1  }
0x1: {  	s4 =	rddreg [dreg:$0x0]  }
0x2: {  	s5 =	rddreg [dreg:$0x1];
	s1 =	srdreg.scid  }
0x3: {  	s6 =	rddreg [dreg:$0x2];
	s0 =	stileid.u32  }
0x4: {  	s2 =	rddreg [dreg:$0x3];
	s3 =	simm.s32 $0x0;
	s23 =	simm.s32 $0x80  }
0x5: {  	s25 =	simm.s32 $0xC0;
	[smem:$0x7FF] =	sst s3;
	s14 =	sadd.s32 $0x4800, s4  }
0x6: {  	s1 =	sand.u32 $0x1, s1;
	_ =	strace $0x80000047;
	[dreg:$0x7] =	wrdreg s14  }
0x7: {  	s7 =	sshll.u32 s0, $0xA;
	s8 =	sshll.u32 s1, $0x9;
	[dreg:$0x12] =	wrdreg s23  }
0x8: {  	[dreg:$0x13] =	wrdreg s25;
	s8 =	sor.u32 s8, s7;
	s7 =	sadd.s32 s7, s4  }
0x9: {  	s9 =	sshrl.u32 s8, $0x3;
	s12 =	sadd.s32 $0xC00, s7;
	s13 =	sshll.u32 s8, $0x4  }
0xa: {  	s5 =	sadd.s32 s5, s9;
	[dreg:$0x6] =	wrdreg s12;
	s4 =	sadd.s32 s6, s13  }
0xb: {  	[dreg:$0x5] =	wrdreg s5;
	s15 =	sadd.s32 $0x400, s4  }
0xc: {  	s16 =	sadd.s32 $0x800, s4;
	[dreg:$0x8] =	wrdreg s15  }
0xd: {  	s17 =	sadd.s32 $0xC00, s4;
	[dreg:$0x9] =	wrdreg s16  }
0xe: {  	s18 =	sadd.s32 $0x1000, s4;
	[dreg:$0xa] =	wrdreg s17  }
0xf: {  	s20 =	sadd.s32 $0x1400, s4;
	[dreg:$0xb] =	wrdreg s18  }
0x10: {  	p0 =	seq.s32 s0, $0xF;
	s21 =	sadd.s32 $0x1800, s4;
	[dreg:$0xc] =	wrdreg s20  }
0x11: {  	s7 =	sadd.s32 $0x1E000, s2;
	s22 =	sadd.s32 $0x1C00, s4;
	[dreg:$0xd] =	wrdreg s21  }
0x12: {  	s5 =	sshrl.u32 @p0 s7, $0x3;
	[dreg:$0xe] =	wrdreg s22  }
0x13: {  	s7 =	sshll.u32 @!p0 s0, $0x6;
	[dreg:$0x11] =	wrdreg s5  }
0x14: {  	s5 =	sor.u32 @!p0 $0x1C0B, s7;
	s7 =	rddreg [dreg:$0x7]  }
0x15: {  	s19 =	sshll.u32 s0, $0xD;
	s24 =	rddreg [dreg:$0x5]  }
0x16: {  	s6 =	sadd.s32 s19, s2;
	[dreg:$0xf] =	wrdreg s5  }
0x17: {  	s5 =	sshrl.u32 @!p0 s6, $0x3;
	s9 =	rddreg [dreg:$0x11]  }
0x18: {  	[tilespmem:s3], [sflag:$0x1] =	stream.linear.gather [hbm4b:s24+s3], $0x200, $0x38;
	[tilespmem:$0x12140] =	vst v63  }
0x19: {  	s0 =	simm.s32 @p0 $0x1FCB;
	s6 =	simm.s32 @p0 $0xB;
	[dreg:$0x10] =	wrdreg s5  }
0x1a: {  	[spmem:s9], [sflag:s0] =	dma.local @p0 [hbm:s7], $0x280  }
0x1b: {  	_ =	swait.ge @p0 [sflag:s6], $0x280  }
0x1c: {  	s8 =	rddreg [dreg:$0x10]  }
0x1d: {  	s9 =	rddreg [dreg:$0x6];
	[sflag:s6] =	ssyncset.done @p0 $0x0  }
0x1e: {  	s7 =	simm.s32 @!p0 $0xB;
	s10 =	rddreg [dreg:$0xf];
	[sflag:s6] =	ssyncadd.s32 @p0 $0xFFFFFD80  }
0x1f: {  	[spmem:s8], [sflag:s10] =	dma.local @!p0 [hbm:s9], $0x400  }
0x20: {  	_ =	swait.ge @!p0 [sflag:s7], $0x400  }
0x21: {  	[sflag:s7] =	ssyncset.done @!p0 $0x0  }
0x22: {  	s8 =	simm.s32 $0x1;
	[sflag:s7] =	ssyncadd.s32 @!p0 $0xFFFFFC00  }
0x23: {  	_ =	swait.ge [sflag:s8], $0x200  }
0x24: {  	[sflag:s8] =	ssyncset.done $0x0  }
0x25: {  	[sflag:s8] =	ssyncadd.s32 $0xFFFFFE00  }
0x26: {  	s9 =	simm.s32 $0x40;
	s10 =	simm.s32 $0x200;
	[bflag:$0x0] =	sbarrier.arrive $0xFFFF  }
0x27: {  	[tilespmem:s10], [sflag:$0x2] =	stream.indirect.gather [spmem:s2], $0x80, s3, s9, $0xb8;
	[tilespmem:$0x12140] =	vst v63  }
0x28: {  	s11 =	simm.s32 $0x2200  }
0x29: {  	[tilespmem:s11], [sflag:$0x2] =	stream.indirect.gather [spmem:s2], $0x80, s9, s9, $0xb8;
	[tilespmem:$0x12140] =	vst v63  }
0x2a: {  	s12 =	simm.s32 $0x4200;
	s13 =	rddreg [dreg:$0x12]  }
0x2b: {  	[tilespmem:s12], [sflag:$0x2] =	stream.indirect.gather [spmem:s2], $0x80, s13, s9, $0xb8;
	[tilespmem:$0x12140] =	vst v63  }
0x2c: {  	s14 =	rddreg [dreg:$0x13];
	s13 =	simm.s32 $0x6200  }
0x2d: {  	[tilespmem:s13], [sflag:$0x2] =	stream.indirect.gather [spmem:s2], $0x80, s14, s9, $0xb8;
	[tilespmem:$0x12140] =	vst v63  }
0x2e: {  	s26 =	simm.s32 $0x100;
	s15 =	simm.s32 $0x8200  }
0x2f: {  	[tilespmem:s15], [sflag:$0x2] =	stream.indirect.gather [spmem:s2], $0x80, s26, s9, $0xb8;
	[tilespmem:$0x12140] =	vst v63  }
0x30: {  	s16 =	simm.s32 $0x140;
	s17 =	simm.s32 $0xA200  }
0x31: {  	[tilespmem:s17], [sflag:$0x2] =	stream.indirect.gather [spmem:s2], $0x80, s16, s9, $0xb8;
	[tilespmem:$0x12140] =	vst v63  }
0x32: {  	s19 =	simm.s32 $0xC200;
	s18 =	simm.s32 $0x180  }
0x33: {  	[tilespmem:s19], [sflag:$0x2] =	stream.indirect.gather [spmem:s2], $0x80, s18, s9, $0xb8;
	[tilespmem:$0x12140] =	vst v63  }
0x34: {  	s20 =	simm.s32 $0x1C0;
	s21 =	simm.s32 $0xE200;
	s22 =	simm.s32 $0x2  }
0x35: {  	[tilespmem:s21], [sflag:$0x2] =	stream.indirect.gather [spmem:s2], $0x80, s20, s9, $0xb8;
	[tilespmem:$0x12140] =	vst v63  }
0x36: {  	_ =	swait.ge [sflag:s22], $0x2000  }
0x37: {  	[sflag:s22] =	ssyncset.done $0x0  }
0x38: {  	[sflag:s22] =	ssyncadd.s32 $0xFFFFE000  }
0x39: {  	[hbm4b:s4+s3] =	stream.linear.scatter [tilespmem:s10], [sflag:$0x3], $0x2000, $0x38;
	[tilespmem:$0x12140] =	vst v63  }
0x3a: {  	_ =	swait.ge [sflag:s22], $0x2000  }
0x3b: {  	[sflag:s22] =	ssyncset.done $0x0  }
0x3c: {  	s23 =	rddreg [dreg:$0x8];
	[sflag:s22] =	ssyncadd.s32 $0xFFFFE000  }
0x3d: {  	[hbm4b:s23+s3] =	stream.linear.scatter [tilespmem:s11], [sflag:$0x4], $0x2000, $0x38;
	[tilespmem:$0x12140] =	vst v63  }
0x3e: {  	_ =	swait.ge [sflag:s22], $0x2000  }
0x3f: {  	[sflag:s22] =	ssyncset.done $0x0  }
0x40: {  	s5 =	rddreg [dreg:$0x9];
	[sflag:s22] =	ssyncadd.s32 $0xFFFFE000  }
0x41: {  	[hbm4b:s5+s3] =	stream.linear.scatter [tilespmem:s12], [sflag:$0x5], $0x2000, $0x38;
	[tilespmem:$0x12140] =	vst v63  }
0x42: {  	_ =	swait.ge [sflag:s22], $0x2000  }
0x43: {  	[sflag:s22] =	ssyncset.done $0x0  }
0x44: {  	s14 =	rddreg [dreg:$0xa];
	[sflag:s22] =	ssyncadd.s32 $0xFFFFE000  }
0x45: {  	[hbm4b:s14+s3] =	stream.linear.scatter [tilespmem:s13], [sflag:$0x6], $0x2000, $0x38;
	[tilespmem:$0x12140] =	vst v63  }
0x46: {  	_ =	swait.ge [sflag:s22], $0x2000  }
0x47: {  	[sflag:s22] =	ssyncset.done $0x0  }
0x48: {  	s24 =	rddreg [dreg:$0xb];
	[sflag:s22] =	ssyncadd.s32 $0xFFFFE000  }
0x49: {  	[hbm4b:s24+s3] =	stream.linear.scatter [tilespmem:s15], [sflag:$0x7], $0x2000, $0x38;
	[tilespmem:$0x12140] =	vst v63  }
0x4a: {  	_ =	swait.ge [sflag:s22], $0x2000  }
0x4b: {  	[sflag:s22] =	ssyncset.done $0x0  }
0x4c: {  	s25 =	rddreg [dreg:$0xc];
	[sflag:s22] =	ssyncadd.s32 $0xFFFFE000  }
0x4d: {  	[hbm4b:s25+s3] =	stream.linear.scatter [tilespmem:s17], [sflag:$0x8], $0x2000, $0x38;
	[tilespmem:$0x12140] =	vst v63  }
0x4e: {  	_ =	swait.ge [sflag:s22], $0x2000  }
0x4f: {  	[sflag:s22] =	ssyncset.done $0x0  }
0x50: {  	s26 =	rddreg [dreg:$0xd];
	[sflag:s22] =	ssyncadd.s32 $0xFFFFE000  }
0x51: {  	[hbm4b:s26+s3] =	stream.linear.scatter [tilespmem:s19], [sflag:$0x9], $0x2000, $0x38;
	[tilespmem:$0x12140] =	vst v63  }
0x52: {  	_ =	swait.ge [sflag:s22], $0x2000  }
0x53: {  	[sflag:s22] =	ssyncset.done $0x0  }
0x54: {  	s23 =	simm.s32 $0x3;
	s24 =	rddreg [dreg:$0xe];
	[sflag:s22] =	ssyncadd.s32 $0xFFFFE000  }
0x55: {  	[hbm4b:s24+s3] =	stream.linear.scatter [tilespmem:s21], [sflag:$0xA], $0x2000, $0x38;
	[tilespmem:$0x12140] =	vst v63  }
0x56: {  	_ =	swait.ge [sflag:s23], $0x2000  }
0x57: {  	[sflag:s23] =	ssyncset.done $0x0  }
0x58: {  	s24 =	simm.s32 $0x4;
	[sflag:s23] =	ssyncadd.s32 $0xFFFFE000  }
0x59: {  	_ =	swait.ge [sflag:s24], $0x2000  }
0x5a: {  	[sflag:s24] =	ssyncset.done $0x0  }
0x5b: {  	s25 =	simm.s32 $0x5;
	[sflag:s24] =	ssyncadd.s32 $0xFFFFE000  }
0x5c: {  	_ =	swait.ge [sflag:s25], $0x2000  }
0x5d: {  	[sflag:s25] =	ssyncset.done $0x0  }
0x5e: {  	s26 =	simm.s32 $0x6;
	[sflag:s25] =	ssyncadd.s32 $0xFFFFE000  }
0x5f: {  	s1 =	ssub.s32 $0x2, s1;
	_ =	swait.ge [sflag:s26], $0x2000  }
0x60: {  	s30 =	sshrl.u32 s1, $0x1;
	[sflag:s26] =	ssyncset.done $0x0  }
0x61: {  	s28 =	simm.s32 $0x7;
	s1 =	ssub.s32 s1, s30;
	[sflag:s26] =	ssyncadd.s32 $0xFFFFE000  }
0x62: {  	s1 =	smax.u32 s1, $0x1;
	_ =	swait.ge [sflag:s28], $0x2000  }
0x63: {  	s30 =	sadd.s32 $0xFFFFFFFF, s1;
	[sflag:s28] =	ssyncset.done $0x0  }
0x64: {  	s29 =	simm.s32 $0x8;
	p1 =	sne.s32 s30, $0x0;
	[sflag:s28] =	ssyncadd.s32 $0xFFFFE000  }
.Ltmp0:
0x65: {  	_ =	swait.ge [sflag:s29], $0x2000;
	(pc) =	sbr.rel @!p1 .LBB2_2-.Ltmp0, $4  }
0x66: {  	[sflag:s29] =	ssyncset.done $0x0  }
0x67: {  	s31 =	simm.s32 $0x9;
	[sflag:s29] =	ssyncadd.s32 $0xFFFFE000  }
0x68: {  	_ =	swait.ge [sflag:s31], $0x2000  }
0x69: {  	s1 =	simm.s32 $0xA;
	[sflag:s31] =	ssyncset.done $0x0  }
.LBB2_1:
0x6a: {  	[sflag:s31] =	ssyncadd.s32 $0xFFFFE000  }
0x6b: {  	_ =	swait.ge [sflag:s1], $0x2000  }
0x6c: {  	s0 =	rddreg [dreg:$0x7];
	[sflag:s1] =	ssyncset.done $0x0  }
0x6d: {  	s5 =	rddreg [dreg:$0x5];
	[sflag:s1] =	ssyncadd.s32 $0xFFFFE000  }
0x6e: {  	[tilespmem:s3], [sflag:$0x1] =	stream.linear.gather [hbm4b:s5+s3], $0x200, $0x38;
	[tilespmem:$0x12140] =	vst v63  }
0x6f: {  	s14 =	rddreg [dreg:$0x11];
	s5 =	simm.s32 @p0 $0x1FCB  }
0x70: {  	[spmem:s14], [sflag:s5] =	dma.local @p0 [hbm:s0], $0x280  }
0x71: {  	_ =	swait.ge @p0 [sflag:s6], $0x280  }
0x72: {  	s0 =	rddreg [dreg:$0x10]  }
0x73: {  	[sflag:s6] =	ssyncset.done @p0 $0x0;
	s5 =	rddreg [dreg:$0x6]  }
0x74: {  	s14 =	rddreg [dreg:$0xf];
	[sflag:s6] =	ssyncadd.s32 @p0 $0xFFFFFD80  }
0x75: {  	[spmem:s0], [sflag:s14] =	dma.local @!p0 [hbm:s5], $0x400  }
0x76: {  	_ =	swait.ge @!p0 [sflag:s7], $0x400  }
0x77: {  	[sflag:s7] =	ssyncset.done @!p0 $0x0  }
0x78: {  	[sflag:s7] =	ssyncadd.s32 @!p0 $0xFFFFFC00  }
0x79: {  	_ =	swait.ge [sflag:s8], $0x200  }
0x7a: {  	[sflag:s8] =	ssyncset.done $0x0  }
0x7b: {  	[sflag:s8] =	ssyncadd.s32 $0xFFFFFE00  }
0x7c: {  	[bflag:$0x0] =	sbarrier.arrive $0xFFFF  }
0x7d: {  	[tilespmem:s10], [sflag:$0x2] =	stream.indirect.gather [spmem:s2], $0x80, s3, s9, $0xb8;
	[tilespmem:$0x12140] =	vst v63  }
0x7e: {  	_ = 	snop  }
0x7f: {  	[tilespmem:s11], [sflag:$0x2] =	stream.indirect.gather [spmem:s2], $0x80, s9, s9, $0xb8;
	[tilespmem:$0x12140] =	vst v63  }
0x80: {  	s5 =	rddreg [dreg:$0x12]  }
0x81: {  	[tilespmem:s12], [sflag:$0x2] =	stream.indirect.gather [spmem:s2], $0x80, s5, s9, $0xb8;
	[tilespmem:$0x12140] =	vst v63  }
0x82: {  	s14 =	rddreg [dreg:$0x13]  }
0x83: {  	[tilespmem:s13], [sflag:$0x2] =	stream.indirect.gather [spmem:s2], $0x80, s14, s9, $0xb8;
	[tilespmem:$0x12140] =	vst v63  }
0x84: {  	s5 =	simm.s32 $0x100  }
0x85: {  	[tilespmem:s15], [sflag:$0x2] =	stream.indirect.gather [spmem:s2], $0x80, s5, s9, $0xb8;
	[tilespmem:$0x12140] =	vst v63  }
0x86: {  	_ = 	snop  }
0x87: {  	[tilespmem:s17], [sflag:$0x2] =	stream.indirect.gather [spmem:s2], $0x80, s16, s9, $0xb8;
	[tilespmem:$0x12140] =	vst v63  }
0x88: {  	_ = 	snop  }
0x89: {  	[tilespmem:s19], [sflag:$0x2] =	stream.indirect.gather [spmem:s2], $0x80, s18, s9, $0xb8;
	[tilespmem:$0x12140] =	vst v63  }
0x8a: {  	_ = 	snop  }
0x8b: {  	[tilespmem:s21], [sflag:$0x2] =	stream.indirect.gather [spmem:s2], $0x80, s20, s9, $0xb8;
	[tilespmem:$0x12140] =	vst v63  }
0x8c: {  	_ =	swait.ge [sflag:s22], $0x2000  }
0x8d: {  	[sflag:s22] =	ssyncset.done $0x0  }
0x8e: {  	[sflag:s22] =	ssyncadd.s32 $0xFFFFE000  }
0x8f: {  	[hbm4b:s4+s3] =	stream.linear.scatter [tilespmem:s10], [sflag:$0x3], $0x2000, $0x38;
	[tilespmem:$0x12140] =	vst v63  }
0x90: {  	_ =	swait.ge [sflag:s22], $0x2000  }
0x91: {  	[sflag:s22] =	ssyncset.done $0x0  }
0x92: {  	s14 =	rddreg [dreg:$0x8];
	[sflag:s22] =	ssyncadd.s32 $0xFFFFE000  }
0x93: {  	[hbm4b:s14+s3] =	stream.linear.scatter [tilespmem:s11], [sflag:$0x4], $0x2000, $0x38;
	[tilespmem:$0x12140] =	vst v63  }
0x94: {  	_ =	swait.ge [sflag:s22], $0x2000  }
0x95: {  	[sflag:s22] =	ssyncset.done $0x0  }
0x96: {  	s5 =	rddreg [dreg:$0x9];
	[sflag:s22] =	ssyncadd.s32 $0xFFFFE000  }
0x97: {  	[hbm4b:s5+s3] =	stream.linear.scatter [tilespmem:s12], [sflag:$0x5], $0x2000, $0x38;
	[tilespmem:$0x12140] =	vst v63  }
0x98: {  	_ =	swait.ge [sflag:s22], $0x2000  }
0x99: {  	[sflag:s22] =	ssyncset.done $0x0  }
0x9a: {  	s14 =	rddreg [dreg:$0xa];
	[sflag:s22] =	ssyncadd.s32 $0xFFFFE000  }
0x9b: {  	[hbm4b:s14+s3] =	stream.linear.scatter [tilespmem:s13], [sflag:$0x6], $0x2000, $0x38;
	[tilespmem:$0x12140] =	vst v63  }
0x9c: {  	_ =	swait.ge [sflag:s22], $0x2000  }
0x9d: {  	[sflag:s22] =	ssyncset.done $0x0  }
0x9e: {  	s5 =	rddreg [dreg:$0xb];
	[sflag:s22] =	ssyncadd.s32 $0xFFFFE000  }
0x9f: {  	[hbm4b:s5+s3] =	stream.linear.scatter [tilespmem:s15], [sflag:$0x7], $0x2000, $0x38;
	[tilespmem:$0x12140] =	vst v63  }
0xa0: {  	_ =	swait.ge [sflag:s22], $0x2000  }
0xa1: {  	[sflag:s22] =	ssyncset.done $0x0  }
0xa2: {  	s14 =	rddreg [dreg:$0xc];
	[sflag:s22] =	ssyncadd.s32 $0xFFFFE000  }
0xa3: {  	[hbm4b:s14+s3] =	stream.linear.scatter [tilespmem:s17], [sflag:$0x8], $0x2000, $0x38;
	[tilespmem:$0x12140] =	vst v63  }
0xa4: {  	_ =	swait.ge [sflag:s22], $0x2000  }
0xa5: {  	[sflag:s22] =	ssyncset.done $0x0  }
0xa6: {  	s5 =	rddreg [dreg:$0xd];
	[sflag:s22] =	ssyncadd.s32 $0xFFFFE000  }
0xa7: {  	[hbm4b:s5+s3] =	stream.linear.scatter [tilespmem:s19], [sflag:$0x9], $0x2000, $0x38;
	[tilespmem:$0x12140] =	vst v63  }
0xa8: {  	_ =	swait.ge [sflag:s22], $0x2000  }
0xa9: {  	[sflag:s22] =	ssyncset.done $0x0  }
0xaa: {  	s14 =	rddreg [dreg:$0xe];
	[sflag:s22] =	ssyncadd.s32 $0xFFFFE000  }
0xab: {  	[hbm4b:s14+s3] =	stream.linear.scatter [tilespmem:s21], [sflag:$0xA], $0x2000, $0x38;
	[tilespmem:$0x12140] =	vst v63  }
0xac: {  	_ =	swait.ge [sflag:s23], $0x2000  }
0xad: {  	[sflag:s23] =	ssyncset.done $0x0  }
0xae: {  	[sflag:s23] =	ssyncadd.s32 $0xFFFFE000  }
0xaf: {  	_ =	swait.ge [sflag:s24], $0x2000  }
0xb0: {  	[sflag:s24] =	ssyncset.done $0x0  }
0xb1: {  	[sflag:s24] =	ssyncadd.s32 $0xFFFFE000  }
0xb2: {  	_ =	swait.ge [sflag:s25], $0x2000  }
0xb3: {  	[sflag:s25] =	ssyncset.done $0x0  }
0xb4: {  	[sflag:s25] =	ssyncadd.s32 $0xFFFFE000  }
0xb5: {  	_ =	swait.ge [sflag:s26], $0x2000  }
0xb6: {  	[sflag:s26] =	ssyncset.done $0x0  }
0xb7: {  	[sflag:s26] =	ssyncadd.s32 $0xFFFFE000  }
0xb8: {  	_ =	swait.ge [sflag:s28], $0x2000  }
0xb9: {  	s30 =	sadd.s32 $0xFFFFFFFF, s30;
	[sflag:s28] =	ssyncset.done $0x0  }
0xba: {  	p1 =	sne.s32 s30, $0x0;
	[sflag:s28] =	ssyncadd.s32 $0xFFFFE000  }
.Ltmp1:
0xbb: {  	_ =	swait.ge [sflag:s29], $0x2000;
	(pc) =	sbr.rel @p1 .LBB2_1-.Ltmp1, $4  }
0xbc: {  	[sflag:s29] =	ssyncset.done $0x0  }
0xbd: {  	[sflag:s29] =	ssyncadd.s32 $0xFFFFE000  }
0xbe: {  	_ =	swait.ge [sflag:s31], $0x2000  }
0xbf: {  	[sflag:s31] =	ssyncset.done $0x0  }
.LBB2_2:
0xc0: {  	[sflag:s31] =	ssyncadd.s32 $0xFFFFE000  }
0xc1: {  	_ =	swait.ge [sflag:s1], $0x2000  }
0xc2: {  	[sflag:s1] =	ssyncset.done $0x0  }
0xc3: {  	[sflag:s1] =	ssyncadd.s32 $0xFFFFE000  }
0xc4: {  	_ =	sfence.sel $0x180000  }
0xc5: {  	[bflag:$0x0] =	sbarrier.arrive $0xFFFF  }
0xc6: {  	_ =	strace $0x90000047  }
0xc7: {  	s0 =	stileid.u32;
	[bflag:$0x2] =	sbarrier.arrive $0xFFFF  }
0xc8: {  	p0 =	sne.s32 s0, $0x0;
	s0 =	rddreg [dreg:$0x4]  }
0xc9: {  	s0 =	sadd.s32 @!p0 $0x100000, s0  }
0xca: {  	[sflag:s0] =	ssyncadd.tile.s32 @!p0 $0x1;
	_ =	shalt  }
.Lfunc_end2:
_tile_overlayer_lowered:
.L_overlay_start_2:
0xcb: {  	(tag) =	ssettag $0x2  }
0xcc: {  	s0 =	rddreg [dreg:$0x0];
	s2 =	stileid.u32  }
0xcd: {  	s1 =	rddreg [dreg:$0x1];
	p0 =	sne.s32 s2, $0x0  }
0xce: {  	s3 =	rddreg [dreg:$0x2];
	[bflag:$0x3] =	sbarrier.arrive $0xFFFF;
	s2 =	simm.s32 @!p0 $0x1C0B  }
0xcf: {  	[timem:s3], [sflag:s2] =	dma.local @!p0 [hbm:s0], s1  }
0xd0: {  	s0 =	simm.s32 @!p0 $0xB  }
0xd1: {  	_ =	swait.ge @!p0 [sflag:s0], s1  }
0xd2: {  	s1 =	ssub.s32 @!p0 $0x0, s1;
	[sflag:s0] =	ssyncset.done @!p0 $0x0  }
0xd3: {  	[sflag:s0] =	ssyncadd.s32 @!p0 s1  }
0xd4: {  	[bflag:$0x3] =	sbarrier.arrive $0xFFFF  }
0xd5: {  	_ =	shalt  }

</sc_bundles>
